<compile_context>
chip_gen: v7x
topology: tpu7x:2x2x1
jax: 0.10.2.dev20260603
libtpu: 0.0.44.dev20260713+nightly
codegen_flags: <defaults>
</compile_context>

<pallas_src>
import jax
import jax.numpy as jnp
from jax import lax
from jax.experimental import pallas as pl
from jax.experimental.pallas import tpu as pltpu
from jax.experimental.pallas import tpu_sc as plsc

_DIM = 64
_CHUNK = 128
_NBUF = 2
_SCALE = 8.0
_L = 16
_NW = 32


def _sc_embed(tok_flat, table):
    n = tok_flat.shape[0]
    per_w = n // _NW
    nchunk = per_w // _CHUNK
    prow = _CHUNK // 2
    mesh = plsc.VectorSubcoreMesh(core_axis_name="c", subcore_axis_name="s")

    @pl.kernel(
        out_type=jax.ShapeDtypeStruct((n // 2, 2 * _DIM), jnp.float32),
        mesh=mesh,
        compiler_params=pltpu.CompilerParams(use_tc_tiling_on_sc=False),
        scratch_types=[
            pltpu.VMEM((per_w,), jnp.int32),
            pltpu.VMEM((_NBUF, _CHUNK, _DIM), jnp.float32),
            pltpu.VMEM((_NBUF, prow, 2 * _DIM), jnp.float32),
            pltpu.SemaphoreType.DMA,
            pltpu.SemaphoreType.DMA,
            pltpu.SemaphoreType.DMA,
        ],
    )
    def k(tab_hbm, tok_hbm, out_hbm, idx_v, gbuf, obuf, sem_i, sem_g, sem_o):
        wid = lax.axis_index("s") * 2 + lax.axis_index("c")
        base = wid * per_w
        pltpu.async_copy(tok_hbm.at[pl.ds(base, per_w)], idx_v, sem_i).wait()

        def gather(kk, b):
            return pltpu.make_async_copy(
                tab_hbm.at[idx_v.at[pl.ds(kk * _CHUNK, _CHUNK)]],
                gbuf.at[b],
                sem_g,
            )

        def put(kk, b):
            return pltpu.make_async_copy(
                obuf.at[b],
                out_hbm.at[pl.ds((base + kk * _CHUNK) // 2, prow)],
                sem_o,
            )

        for b in range(_NBUF):
            gather(b, b).start()

        @pl.loop(0, nchunk, step=_NBUF)
        def _(k0):
            for b in range(_NBUF):
                kk = k0 + b
                gather(kk, b).wait()

                @pl.when(kk >= _NBUF)
                def _():
                    put(kk - _NBUF, b).wait()

                @pl.loop(0, prow)
                def _(r):
                    for p in range(2):
                        for c in range(0, _DIM, _L):
                            obuf.at[b, r, pl.ds(p * _DIM + c, _L)][...] = (
                                gbuf.at[b, 2 * r + p, pl.ds(c, _L)][...]
                                * _SCALE
                            )

                put(kk, b).start()

                @pl.when(kk + _NBUF < nchunk)
                def _():
                    gather(kk + _NBUF, b).start()

        for b in range(_NBUF):
            put(nchunk - _NBUF + b, b).wait()

    return k(table, tok_flat)


def kernel(tokens, table):
    b, s = tokens.shape
    tok_flat = tokens.astype(jnp.int32).reshape(b * s)
    out = _sc_embed(tok_flat, table)
    return out.reshape(b, s, _DIM)

# --- scband reference (transcript-rebuilt; emitter-appended) ---
"""Pipeline reference for scband-token-embedding-62921270886784 (READ-ONLY COPY).

The authoritative reference and input builder live on the scoring server;
editing this copy changes nothing except your own understanding.
"""

import math
import jax, jax.numpy as jnp
import numpy as np

NUM_EMBEDDINGS = 1000000
EMBED_DIM = 64

def setup_inputs(seed: int = 0) -> dict:
    key = jax.random.key(seed)
    k_tok, k_tab = jax.random.split(key)
    tokens = jax.random.randint(k_tok, (16384, 20), 0, NUM_EMBEDDINGS, dtype=jnp.int64 if jax.config.read('jax_enable_x64') else jnp.int32)
    table = jax.random.normal(k_tab, (NUM_EMBEDDINGS, EMBED_DIM), dtype=jnp.float32) * 0.02
    # padding_idx=0: its row is zero in nn.Embedding.from_pretrained semantics after init (kept as-is; from_pretrained does not zero it, so we keep the row unchanged)
    return {"tokens": tokens, "table": table}

def reference(tokens, table):
    emb = jnp.take(table, tokens.astype(jnp.int32), axis=0)
    return emb * math.sqrt(EMBED_DIM)

if __name__ == "__main__":
    import jax
    _d = setup_inputs()
    print(jax.jit(kernel)(*tuple(_d.values())))

</pallas_src>

<mosaic_0001>
#map = affine_map<(d0, d1) -> (0, 0)>
#map1 = affine_map<(d0, d1) -> (0)>
module attributes {stable_mosaic.version = 14 : i64} {
  func.func @k(%arg0: i32, %arg1: i32, %arg2: memref<1000000x64xf32, #tpu.memory_space<hbm>>, %arg3: memref<327680xi32, #tpu.memory_space<hbm>>, %arg4: memref<163840x128xf32, #tpu.memory_space<hbm>>, %arg5: memref<10240xi32, #tpu.memory_space<vmem>>, %arg6: memref<2x128x64xf32, #tpu.memory_space<vmem>>, %arg7: memref<2x64x128xf32, #tpu.memory_space<vmem>>, %arg8: memref<!tpu.dma_semaphore, #tpu.memory_space<semaphore_mem>>, %arg9: memref<!tpu.dma_semaphore, #tpu.memory_space<semaphore_mem>>, %arg10: memref<!tpu.dma_semaphore, #tpu.memory_space<semaphore_mem>>) attributes {dimension_semantics = [#tpu.dimension_semantics<core_parallel>, #tpu.dimension_semantics<subcore_parallel>], iteration_bounds = array<i64: 2, 16>, scalar_prefetch = 0 : i64, scratch_operands = 6 : i64, tpu.core_type = #tpu.core_type<sc_vector_subcore>, window_params = [{transform_indices = #map}, {transform_indices = #map1}, {transform_indices = #map}]} {
    %mul3A = arith.constant 2 : i32
    %mul3A_0 = arith.muli %arg1, %mul3A : i32
    %add3A = arith.addi %mul3A_0, %arg0 : i32
    %mul3A_1 = arith.constant 10240 : i32
    %mul3A_2 = arith.muli %add3A, %mul3A_1 : i32
    %dma_start3A = tpu.memref_slice %arg3[%mul3A_2] : memref<327680xi32, #tpu.memory_space<hbm>> -> memref<10240xi32, #tpu.memory_space<hbm>>
    %dma_start3A_3 = tpu.memref_slice %arg3[%mul3A_2] : memref<327680xi32, #tpu.memory_space<hbm>> -> memref<10240xi32, #tpu.memory_space<hbm>>
    tpu.enqueue_dma source(%dma_start3A_3 : memref<10240xi32, #tpu.memory_space<hbm>>) target(%arg5 : memref<10240xi32, #tpu.memory_space<vmem>>) target_semaphore(%arg8 : memref<!tpu.dma_semaphore, #tpu.memory_space<semaphore_mem>>)
    %dma_wait3A = tpu.memref_slice %arg3[%mul3A_2] : memref<327680xi32, #tpu.memory_space<hbm>> -> memref<10240xi32, #tpu.memory_space<hbm>>
    %dma_wait3A_4 = tpu.memref_slice %arg3[%mul3A_2] : memref<327680xi32, #tpu.memory_space<hbm>> -> memref<10240xi32, #tpu.memory_space<hbm>>
    tpu.wait_dma2 semaphore(%arg8 : memref<!tpu.dma_semaphore, #tpu.memory_space<semaphore_mem>>) src(%dma_wait3A_4 : memref<10240xi32, #tpu.memory_space<hbm>>) dst(%arg5 : memref<10240xi32, #tpu.memory_space<vmem>>)
    %dma_start3A_5 = arith.constant 0 : i32
    %dma_start3A_6 = arith.constant 0 : i32
    %dma_start3A_7 = arith.constant 0 : i32
    %dma_start3A_8 = tpu.memref_slice %arg6[%dma_start3A_5, %dma_start3A_6, %dma_start3A_7] : memref<2x128x64xf32, #tpu.memory_space<vmem>> -> memref<1x128x64xf32, #tpu.memory_space<vmem>>
    %dma_start3A_9 = tpu.memref_squeeze %dma_start3A_8 : memref<1x128x64xf32, #tpu.memory_space<vmem>> -> memref<128x64xf32, #tpu.memory_space<vmem>>
    %dma_start3A_10 = arith.constant 0 : i32
    %dma_start3A_11 = tpu.memref_slice %arg5[%dma_start3A_10] : memref<10240xi32, #tpu.memory_space<vmem>> -> memref<128xi32, #tpu.memory_space<vmem>>
    %dma_start3A_12 = arith.constant 0 : i32
    %dma_start3A_13 = arith.constant 0 : i32
    %dma_start3A_14 = tpu.memref_slice %arg2[%dma_start3A_12, %dma_start3A_13] : memref<1000000x64xf32, #tpu.memory_space<hbm>> -> memref<1000000x64xf32, #tpu.memory_space<hbm>>
    tpu.enqueue_indirect_dma source(%dma_start3A_14 : memref<1000000x64xf32, #tpu.memory_space<hbm>>) target(%dma_start3A_9 : memref<128x64xf32, #tpu.memory_space<vmem>>) offsets(%dma_start3A_11 : memref<128xi32, #tpu.memory_space<vmem>>) semaphore(%arg9 : memref<!tpu.dma_semaphore, #tpu.memory_space<semaphore_mem>>)
    %dma_start3A_15 = arith.constant 1 : i32
    %dma_start3A_16 = arith.constant 0 : i32
    %dma_start3A_17 = arith.constant 0 : i32
    %dma_start3A_18 = tpu.memref_slice %arg6[%dma_start3A_15, %dma_start3A_16, %dma_start3A_17] : memref<2x128x64xf32, #tpu.memory_space<vmem>> -> memref<1x128x64xf32, #tpu.memory_space<vmem>>
    %dma_start3A_19 = tpu.memref_squeeze %dma_start3A_18 : memref<1x128x64xf32, #tpu.memory_space<vmem>> -> memref<128x64xf32, #tpu.memory_space<vmem>>
    %dma_start3A_20 = arith.constant 128 : i32
    %dma_start3A_21 = tpu.memref_slice %arg5[%dma_start3A_20] : memref<10240xi32, #tpu.memory_space<vmem>> -> memref<128xi32, #tpu.memory_space<vmem>>
    %dma_start3A_22 = arith.constant 0 : i32
    %dma_start3A_23 = arith.constant 0 : i32
    %dma_start3A_24 = tpu.memref_slice %arg2[%dma_start3A_22, %dma_start3A_23] : memref<1000000x64xf32, #tpu.memory_space<hbm>> -> memref<1000000x64xf32, #tpu.memory_space<hbm>>
    tpu.enqueue_indirect_dma source(%dma_start3A_24 : memref<1000000x64xf32, #tpu.memory_space<hbm>>) target(%dma_start3A_19 : memref<128x64xf32, #tpu.memory_space<vmem>>) offsets(%dma_start3A_21 : memref<128xi32, #tpu.memory_space<vmem>>) semaphore(%arg9 : memref<!tpu.dma_semaphore, #tpu.memory_space<semaphore_mem>>)
    %scan3A = arith.constant 0 : i32
    %scan3A_25 = arith.constant 40 : i32
    %scan3A_26 = arith.addi %scan3A, %scan3A_25 : i32
    %scan3A_27 = arith.constant 1 : i32
    scf.for %scan3A_99 = %scan3A to %scan3A_26 step %scan3A_27  : i32 {
      %mul3A_100 = arith.constant 2 : i32
      %mul3A_101 = arith.muli %scan3A_99, %mul3A_100 : i32
      %add3A_102 = arith.constant 0 : i32
      %add3A_103 = arith.addi %add3A_102, %mul3A_101 : i32
      %add3A_104 = arith.constant 0 : i32
      %add3A_105 = arith.addi %add3A_103, %add3A_104 : i32
      %mul3A_106 = arith.constant 128 : i32
      %mul3A_107 = arith.muli %add3A_105, %mul3A_106 : i32
      %dma_wait3A_108 = arith.constant 0 : i32
      %dma_wait3A_109 = arith.constant 0 : i32
      %dma_wait3A_110 = arith.constant 0 : i32
      %dma_wait3A_111 = tpu.memref_slice %arg6[%dma_wait3A_108, %dma_wait3A_109, %dma_wait3A_110] : memref<2x128x64xf32, #tpu.memory_space<vmem>> -> memref<1x128x64xf32, #tpu.memory_space<vmem>>
      %dma_wait3A_112 = tpu.memref_squeeze %dma_wait3A_111 : memref<1x128x64xf32, #tpu.memory_space<vmem>> -> memref<128x64xf32, #tpu.memory_space<vmem>>
      %dma_wait3A_113 = tpu.memref_slice %arg5[%mul3A_107] : memref<10240xi32, #tpu.memory_space<vmem>> -> memref<128xi32, #tpu.memory_space<vmem>>
      %dma_wait3A_114 = arith.constant 0 : i32
      %dma_wait3A_115 = arith.constant 0 : i32
      %dma_wait3A_116 = tpu.memref_slice %arg2[%dma_wait3A_114, %dma_wait3A_115] : memref<1000000x64xf32, #tpu.memory_space<hbm>> -> memref<1000000x64xf32, #tpu.memory_space<hbm>>
      tpu.wait_indirect_dma semaphore(%arg9 : memref<!tpu.dma_semaphore, #tpu.memory_space<semaphore_mem>>) src(%dma_wait3A_116 : memref<1000000x64xf32, #tpu.memory_space<hbm>>) dst(%dma_wait3A_112 : memref<128x64xf32, #tpu.memory_space<vmem>>)
      %ge3A = arith.constant 2 : i32
      %ge3A_117 = arith.cmpi sge, %add3A_105, %ge3A : i32
      %convert_element_type3A = arith.extui %ge3A_117 : i1 to i32
      %cond3A = arith.constant 0 : i32
      %cond3A_118 = arith.cmpi ne, %convert_element_type3A, %cond3A : i32
      scf.if %cond3A_118 {
        %sub3A_240 = arith.constant 2 : i32
        %sub3A_241 = arith.subi %add3A_105, %sub3A_240 : i32
        %mul3A_242 = arith.constant 128 : i32
        %mul3A_243 = arith.muli %sub3A_241, %mul3A_242 : i32
        %add3A_244 = arith.addi %mul3A_2, %mul3A_243 : i32
        %jit3A_245 = arith.constant 2 : i32
        %div3A_246 = arith.divsi %add3A_244, %jit3A_245 : i32
        %sign3A_247 = arith.constant 0 : i32
        %sign3A_248 = arith.cmpi sgt, %add3A_244, %sign3A_247 : i32
        %sign3A_249 = arith.extui %sign3A_248 : i1 to i32
        %sign3A_250 = arith.constant 0 : i32
        %sign3A_251 = arith.cmpi slt, %add3A_244, %sign3A_250 : i32
        %sign3A_252 = arith.extui %sign3A_251 : i1 to i32
        %sign3A_253 = arith.subi %sign3A_249, %sign3A_252 : i32
        %sign3A_254 = arith.constant 0 : i32
        %sign3A_255 = arith.cmpi sgt, %jit3A_245, %sign3A_254 : i32
        %sign3A_256 = arith.extui %sign3A_255 : i1 to i32
        %sign3A_257 = arith.constant 0 : i32
        %sign3A_258 = arith.cmpi slt, %jit3A_245, %sign3A_257 : i32
        %sign3A_259 = arith.extui %sign3A_258 : i1 to i32
        %sign3A_260 = arith.subi %sign3A_256, %sign3A_259 : i32
        %ne3A_261 = arith.cmpi ne, %sign3A_253, %sign3A_260 : i32
        %rem3A_262 = arith.remsi %add3A_244, %jit3A_245 : i32
        %ne3A_263 = arith.constant 0 : i32
        %ne3A_264 = arith.cmpi ne, %rem3A_262, %ne3A_263 : i32
        %and3A_265 = arith.andi %ne3A_261, %ne3A_264 : i1
        %sub3A_266 = arith.constant 1 : i32
        %sub3A_267 = arith.subi %div3A_246, %sub3A_266 : i32
        %select_n3A_268 = arith.select %and3A_265, %sub3A_267, %div3A_246 : i32
        %dma_wait3A_269 = arith.constant 0 : i32
        %dma_wait3A_270 = arith.constant 0 : i32
        %dma_wait3A_271 = arith.constant 0 : i32
        %dma_wait3A_272 = tpu.memref_slice %arg7[%dma_wait3A_269, %dma_wait3A_270, %dma_wait3A_271] : memref<2x64x128xf32, #tpu.memory_space<vmem>> -> memref<1x64x128xf32, #tpu.memory_space<vmem>>
        %dma_wait3A_273 = tpu.memref_squeeze %dma_wait3A_272 : memref<1x64x128xf32, #tpu.memory_space<vmem>> -> memref<64x128xf32, #tpu.memory_space<vmem>>
        %dma_wait3A_274 = arith.constant 0 : i32
        %dma_wait3A_275 = tpu.memref_slice %arg4[%select_n3A_268, %dma_wait3A_274] : memref<163840x128xf32, #tpu.memory_space<hbm>> -> memref<64x128xf32, #tpu.memory_space<hbm>>
        %dma_wait3A_276 = arith.constant 0 : i32
        %dma_wait3A_277 = tpu.memref_slice %arg4[%select_n3A_268, %dma_wait3A_276] : memref<163840x128xf32, #tpu.memory_space<hbm>> -> memref<64x128xf32, #tpu.memory_space<hbm>>
        %dma_wait3A_278 = arith.constant 0 : i32
        %dma_wait3A_279 = arith.constant 0 : i32
        %dma_wait3A_280 = tpu.memref_slice %arg7[%dma_wait3A_269, %dma_wait3A_278, %dma_wait3A_279] : memref<2x64x128xf32, #tpu.memory_space<vmem>> -> memref<1x64x128xf32, #tpu.memory_space<vmem>>
        %dma_wait3A_281 = tpu.memref_squeeze %dma_wait3A_280 : memref<1x64x128xf32, #tpu.memory_space<vmem>> -> memref<64x128xf32, #tpu.memory_space<vmem>>
        tpu.wait_dma2 semaphore(%arg10 : memref<!tpu.dma_semaphore, #tpu.memory_space<semaphore_mem>>) src(%dma_wait3A_281 : memref<64x128xf32, #tpu.memory_space<vmem>>) dst(%dma_wait3A_277 : memref<64x128xf32, #tpu.memory_space<hbm>>)
      } else {
      }
      %scan3A_119 = arith.constant 0 : i32
      %scan3A_120 = arith.constant 64 : i32
      %scan3A_121 = arith.addi %scan3A_119, %scan3A_120 : i32
      %scan3A_122 = arith.constant 1 : i32
      scf.for %scan3A_240 = %scan3A_119 to %scan3A_121 step %scan3A_122  : i32 {
        %mul3A_241 = arith.constant 1 : i32
        %mul3A_242 = arith.muli %scan3A_240, %mul3A_241 : i32
        %add3A_243 = arith.constant 0 : i32
        %add3A_244 = arith.addi %add3A_243, %mul3A_242 : i32
        %mul3A_245 = arith.constant 2 : i32
        %mul3A_246 = arith.muli %mul3A_245, %add3A_244 : i32
        %add3A_247 = arith.constant 0 : i32
        %add3A_248 = arith.addi %mul3A_246, %add3A_247 : i32
        %get3A = arith.constant 0 : i32
        %get3A_249 = arith.index_cast %get3A : i32 to index
        %get3A_250 = arith.index_cast %add3A_248 : i32 to index
        %get3A_251 = arith.constant 0 : index
        %get3A_252 = tpu.vector_load %arg6[%get3A_249, %get3A_250, %get3A_251] {strides = array<i32>} : memref<2x128x64xf32, #tpu.memory_space<vmem>>, vector<1x1x16xf32>,
        %get3A_253 = vector.shape_cast %get3A_252 : vector<1x1x16xf32> to vector<16xf32>
        %mul3A_254 = arith.constant 8.000000e+00 : f32
        %mul3A_255 = vector.broadcast %mul3A_254 : f32 to vector<16xf32>
        %mul3A_256 = arith.mulf %get3A_253, %mul3A_255 : vector<16xf32>
        %swap3A = arith.constant 0 : i32
        %swap3A_257 = arith.index_cast %swap3A : i32 to index
        %swap3A_258 = arith.index_cast %add3A_244 : i32 to index
        %swap3A_259 = arith.constant 0 : index
        %swap3A_260 = tpu.vector_load %arg7[%swap3A_257, %swap3A_258, %swap3A_259] {strides = array<i32>} : memref<2x64x128xf32, #tpu.memory_space<vmem>>, vector<1x1x16xf32>,
        %swap3A_261 = vector.shape_cast %swap3A_260 : vector<1x1x16xf32> to vector<16xf32>
        %swap3A_262 = vector.shape_cast %mul3A_256 : vector<16xf32> to vector<1x1x16xf32>
        tpu.vector_store %arg7[%swap3A_257, %swap3A_258, %swap3A_259], %swap3A_262 {strides = array<i32>} : memref<2x64x128xf32, #tpu.memory_space<vmem>>, vector<1x1x16xf32>,
        %mul3A_263 = arith.constant 2 : i32
        %mul3A_264 = arith.muli %mul3A_263, %add3A_244 : i32
        %add3A_265 = arith.constant 0 : i32
        %add3A_266 = arith.addi %mul3A_264, %add3A_265 : i32
        %get3A_267 = arith.constant 0 : i32
        %get3A_268 = arith.index_cast %get3A_267 : i32 to index
        %get3A_269 = arith.index_cast %add3A_266 : i32 to index
        %get3A_270 = arith.constant 16 : index
        %get3A_271 = tpu.vector_load %arg6[%get3A_268, %get3A_269, %get3A_270] {strides = array<i32>} : memref<2x128x64xf32, #tpu.memory_space<vmem>>, vector<1x1x16xf32>,
        %get3A_272 = vector.shape_cast %get3A_271 : vector<1x1x16xf32> to vector<16xf32>
        %mul3A_273 = arith.constant 8.000000e+00 : f32
        %mul3A_274 = vector.broadcast %mul3A_273 : f32 to vector<16xf32>
        %mul3A_275 = arith.mulf %get3A_272, %mul3A_274 : vector<16xf32>
        %swap3A_276 = arith.constant 0 : i32
        %swap3A_277 = arith.index_cast %swap3A_276 : i32 to index
        %swap3A_278 = arith.index_cast %add3A_244 : i32 to index
        %swap3A_279 = arith.constant 16 : index
        %swap3A_280 = tpu.vector_load %arg7[%swap3A_277, %swap3A_278, %swap3A_279] {strides = array<i32>} : memref<2x64x128xf32, #tpu.memory_space<vmem>>, vector<1x1x16xf32>,
        %swap3A_281 = vector.shape_cast %swap3A_280 : vector<1x1x16xf32> to vector<16xf32>
        %swap3A_282 = vector.shape_cast %mul3A_275 : vector<16xf32> to vector<1x1x16xf32>
        tpu.vector_store %arg7[%swap3A_277, %swap3A_278, %swap3A_279], %swap3A_282 {strides = array<i32>} : memref<2x64x128xf32, #tpu.memory_space<vmem>>, vector<1x1x16xf32>,
        %mul3A_283 = arith.constant 2 : i32
        %mul3A_284 = arith.muli %mul3A_283, %add3A_244 : i32
        %add3A_285 = arith.constant 0 : i32
        %add3A_286 = arith.addi %mul3A_284, %add3A_285 : i32
        %get3A_287 = arith.constant 0 : i32
        %get3A_288 = arith.index_cast %get3A_287 : i32 to index
        %get3A_289 = arith.index_cast %add3A_286 : i32 to index
        %get3A_290 = arith.constant 32 : index
        %get3A_291 = tpu.vector_load %arg6[%get3A_288, %get3A_289, %get3A_290] {strides = array<i32>} : memref<2x128x64xf32, #tpu.memory_space<vmem>>, vector<1x1x16xf32>,
        %get3A_292 = vector.shape_cast %get3A_291 : vector<1x1x16xf32> to vector<16xf32>
        %mul3A_293 = arith.constant 8.000000e+00 : f32
        %mul3A_294 = vector.broadcast %mul3A_293 : f32 to vector<16xf32>
        %mul3A_295 = arith.mulf %get3A_292, %mul3A_294 : vector<16xf32>
        %swap3A_296 = arith.constant 0 : i32
        %swap3A_297 = arith.index_cast %swap3A_296 : i32 to index
        %swap3A_298 = arith.index_cast %add3A_244 : i32 to index
        %swap3A_299 = arith.constant 32 : index
        %swap3A_300 = tpu.vector_load %arg7[%swap3A_297, %swap3A_298, %swap3A_299] {strides = array<i32>} : memref<2x64x128xf32, #tpu.memory_space<vmem>>, vector<1x1x16xf32>,
        %swap3A_301 = vector.shape_cast %swap3A_300 : vector<1x1x16xf32> to vector<16xf32>
        %swap3A_302 = vector.shape_cast %mul3A_295 : vector<16xf32> to vector<1x1x16xf32>
        tpu.vector_store %arg7[%swap3A_297, %swap3A_298, %swap3A_299], %swap3A_302 {strides = array<i32>} : memref<2x64x128xf32, #tpu.memory_space<vmem>>, vector<1x1x16xf32>,
        %mul3A_303 = arith.constant 2 : i32
        %mul3A_304 = arith.muli %mul3A_303, %add3A_244 : i32
        %add3A_305 = arith.constant 0 : i32
        %add3A_306 = arith.addi %mul3A_304, %add3A_305 : i32
        %get3A_307 = arith.constant 0 : i32
        %get3A_308 = arith.index_cast %get3A_307 : i32 to index
        %get3A_309 = arith.index_cast %add3A_306 : i32 to index
        %get3A_310 = arith.constant 48 : index
        %get3A_311 = tpu.vector_load %arg6[%get3A_308, %get3A_309, %get3A_310] {strides = array<i32>} : memref<2x128x64xf32, #tpu.memory_space<vmem>>, vector<1x1x16xf32>,
        %get3A_312 = vector.shape_cast %get3A_311 : vector<1x1x16xf32> to vector<16xf32>
        %mul3A_313 = arith.constant 8.000000e+00 : f32
        %mul3A_314 = vector.broadcast %mul3A_313 : f32 to vector<16xf32>
        %mul3A_315 = arith.mulf %get3A_312, %mul3A_314 : vector<16xf32>
        %swap3A_316 = arith.constant 0 : i32
        %swap3A_317 = arith.index_cast %swap3A_316 : i32 to index
        %swap3A_318 = arith.index_cast %add3A_244 : i32 to index
        %swap3A_319 = arith.constant 48 : index
        %swap3A_320 = tpu.vector_load %arg7[%swap3A_317, %swap3A_318, %swap3A_319] {strides = array<i32>} : memref<2x64x128xf32, #tpu.memory_space<vmem>>, vector<1x1x16xf32>,
        %swap3A_321 = vector.shape_cast %swap3A_320 : vector<1x1x16xf32> to vector<16xf32>
        %swap3A_322 = vector.shape_cast %mul3A_315 : vector<16xf32> to vector<1x1x16xf32>
        tpu.vector_store %arg7[%swap3A_317, %swap3A_318, %swap3A_319], %swap3A_322 {strides = array<i32>} : memref<2x64x128xf32, #tpu.memory_space<vmem>>, vector<1x1x16xf32>,
        %mul3A_323 = arith.constant 2 : i32
        %mul3A_324 = arith.muli %mul3A_323, %add3A_244 : i32
        %add3A_325 = arith.constant 1 : i32
        %add3A_326 = arith.addi %mul3A_324, %add3A_325 : i32
        %get3A_327 = arith.constant 0 : i32
        %get3A_328 = arith.index_cast %get3A_327 : i32 to index
        %get3A_329 = arith.index_cast %add3A_326 : i32 to index
        %get3A_330 = arith.constant 0 : index
        %get3A_331 = tpu.vector_load %arg6[%get3A_328, %get3A_329, %get3A_330] {strides = array<i32>} : memref<2x128x64xf32, #tpu.memory_space<vmem>>, vector<1x1x16xf32>,
        %get3A_332 = vector.shape_cast %get3A_331 : vector<1x1x16xf32> to vector<16xf32>
        %mul3A_333 = arith.constant 8.000000e+00 : f32
        %mul3A_334 = vector.broadcast %mul3A_333 : f32 to vector<16xf32>
        %mul3A_335 = arith.mulf %get3A_332, %mul3A_334 : vector<16xf32>
        %swap3A_336 = arith.constant 0 : i32
        %swap3A_337 = arith.index_cast %swap3A_336 : i32 to index
        %swap3A_338 = arith.index_cast %add3A_244 : i32 to index
        %swap3A_339 = arith.constant 64 : index
        %swap3A_340 = tpu.vector_load %arg7[%swap3A_337, %swap3A_338, %swap3A_339] {strides = array<i32>} : memref<2x64x128xf32, #tpu.memory_space<vmem>>, vector<1x1x16xf32>,
        %swap3A_341 = vector.shape_cast %swap3A_340 : vector<1x1x16xf32> to vector<16xf32>
        %swap3A_342 = vector.shape_cast %mul3A_335 : vector<16xf32> to vector<1x1x16xf32>
        tpu.vector_store %arg7[%swap3A_337, %swap3A_338, %swap3A_339], %swap3A_342 {strides = array<i32>} : memref<2x64x128xf32, #tpu.memory_space<vmem>>, vector<1x1x16xf32>,
        %mul3A_343 = arith.constant 2 : i32
        %mul3A_344 = arith.muli %mul3A_343, %add3A_244 : i32
        %add3A_345 = arith.constant 1 : i32
        %add3A_346 = arith.addi %mul3A_344, %add3A_345 : i32
        %get3A_347 = arith.constant 0 : i32
        %get3A_348 = arith.index_cast %get3A_347 : i32 to index
        %get3A_349 = arith.index_cast %add3A_346 : i32 to index
        %get3A_350 = arith.constant 16 : index
        %get3A_351 = tpu.vector_load %arg6[%get3A_348, %get3A_349, %get3A_350] {strides = array<i32>} : memref<2x128x64xf32, #tpu.memory_space<vmem>>, vector<1x1x16xf32>,
        %get3A_352 = vector.shape_cast %get3A_351 : vector<1x1x16xf32> to vector<16xf32>
        %mul3A_353 = arith.constant 8.000000e+00 : f32
        %mul3A_354 = vector.broadcast %mul3A_353 : f32 to vector<16xf32>
        %mul3A_355 = arith.mulf %get3A_352, %mul3A_354 : vector<16xf32>
        %swap3A_356 = arith.constant 0 : i32
        %swap3A_357 = arith.index_cast %swap3A_356 : i32 to index
        %swap3A_358 = arith.index_cast %add3A_244 : i32 to index
        %swap3A_359 = arith.constant 80 : index
        %swap3A_360 = tpu.vector_load %arg7[%swap3A_357, %swap3A_358, %swap3A_359] {strides = array<i32>} : memref<2x64x128xf32, #tpu.memory_space<vmem>>, vector<1x1x16xf32>,
        %swap3A_361 = vector.shape_cast %swap3A_360 : vector<1x1x16xf32> to vector<16xf32>
        %swap3A_362 = vector.shape_cast %mul3A_355 : vector<16xf32> to vector<1x1x16xf32>
        tpu.vector_store %arg7[%swap3A_357, %swap3A_358, %swap3A_359], %swap3A_362 {strides = array<i32>} : memref<2x64x128xf32, #tpu.memory_space<vmem>>, vector<1x1x16xf32>,
        %mul3A_363 = arith.constant 2 : i32
        %mul3A_364 = arith.muli %mul3A_363, %add3A_244 : i32
        %add3A_365 = arith.constant 1 : i32
        %add3A_366 = arith.addi %mul3A_364, %add3A_365 : i32
        %get3A_367 = arith.constant 0 : i32
        %get3A_368 = arith.index_cast %get3A_367 : i32 to index
        %get3A_369 = arith.index_cast %add3A_366 : i32 to index
        %get3A_370 = arith.constant 32 : index
        %get3A_371 = tpu.vector_load %arg6[%get3A_368, %get3A_369, %get3A_370] {strides = array<i32>} : memref<2x128x64xf32, #tpu.memory_space<vmem>>, vector<1x1x16xf32>,
        %get3A_372 = vector.shape_cast %get3A_371 : vector<1x1x16xf32> to vector<16xf32>
        %mul3A_373 = arith.constant 8.000000e+00 : f32
        %mul3A_374 = vector.broadcast %mul3A_373 : f32 to vector<16xf32>
        %mul3A_375 = arith.mulf %get3A_372, %mul3A_374 : vector<16xf32>
        %swap3A_376 = arith.constant 0 : i32
        %swap3A_377 = arith.index_cast %swap3A_376 : i32 to index
        %swap3A_378 = arith.index_cast %add3A_244 : i32 to index
        %swap3A_379 = arith.constant 96 : index
        %swap3A_380 = tpu.vector_load %arg7[%swap3A_377, %swap3A_378, %swap3A_379] {strides = array<i32>} : memref<2x64x128xf32, #tpu.memory_space<vmem>>, vector<1x1x16xf32>,
        %swap3A_381 = vector.shape_cast %swap3A_380 : vector<1x1x16xf32> to vector<16xf32>
        %swap3A_382 = vector.shape_cast %mul3A_375 : vector<16xf32> to vector<1x1x16xf32>
        tpu.vector_store %arg7[%swap3A_377, %swap3A_378, %swap3A_379], %swap3A_382 {strides = array<i32>} : memref<2x64x128xf32, #tpu.memory_space<vmem>>, vector<1x1x16xf32>,
        %mul3A_383 = arith.constant 2 : i32
        %mul3A_384 = arith.muli %mul3A_383, %add3A_244 : i32
        %add3A_385 = arith.constant 1 : i32
        %add3A_386 = arith.addi %mul3A_384, %add3A_385 : i32
        %get3A_387 = arith.constant 0 : i32
        %get3A_388 = arith.index_cast %get3A_387 : i32 to index
        %get3A_389 = arith.index_cast %add3A_386 : i32 to index
        %get3A_390 = arith.constant 48 : index
        %get3A_391 = tpu.vector_load %arg6[%get3A_388, %get3A_389, %get3A_390] {strides = array<i32>} : memref<2x128x64xf32, #tpu.memory_space<vmem>>, vector<1x1x16xf32>,
        %get3A_392 = vector.shape_cast %get3A_391 : vector<1x1x16xf32> to vector<16xf32>
        %mul3A_393 = arith.constant 8.000000e+00 : f32
        %mul3A_394 = vector.broadcast %mul3A_393 : f32 to vector<16xf32>
        %mul3A_395 = arith.mulf %get3A_392, %mul3A_394 : vector<16xf32>
        %swap3A_396 = arith.constant 0 : i32
        %swap3A_397 = arith.index_cast %swap3A_396 : i32 to index
        %swap3A_398 = arith.index_cast %add3A_244 : i32 to index
        %swap3A_399 = arith.constant 112 : index
        %swap3A_400 = tpu.vector_load %arg7[%swap3A_397, %swap3A_398, %swap3A_399] {strides = array<i32>} : memref<2x64x128xf32, #tpu.memory_space<vmem>>, vector<1x1x16xf32>,
        %swap3A_401 = vector.shape_cast %swap3A_400 : vector<1x1x16xf32> to vector<16xf32>
        %swap3A_402 = vector.shape_cast %mul3A_395 : vector<16xf32> to vector<1x1x16xf32>
        tpu.vector_store %arg7[%swap3A_397, %swap3A_398, %swap3A_399], %swap3A_402 {strides = array<i32>} : memref<2x64x128xf32, #tpu.memory_space<vmem>>, vector<1x1x16xf32>,
      }
      %scan3A_123 = arith.constant 64 : i32
      %mul3A_124 = arith.constant 128 : i32
      %mul3A_125 = arith.muli %add3A_105, %mul3A_124 : i32
      %add3A_126 = arith.addi %mul3A_2, %mul3A_125 : i32
      %jit3A_127 = arith.constant 2 : i32
      %div3A_128 = arith.divsi %add3A_126, %jit3A_127 : i32
      %sign3A_129 = arith.constant 0 : i32
      %sign3A_130 = arith.cmpi sgt, %add3A_126, %sign3A_129 : i32
      %sign3A_131 = arith.extui %sign3A_130 : i1 to i32
      %sign3A_132 = arith.constant 0 : i32
      %sign3A_133 = arith.cmpi slt, %add3A_126, %sign3A_132 : i32
      %sign3A_134 = arith.extui %sign3A_133 : i1 to i32
      %sign3A_135 = arith.subi %sign3A_131, %sign3A_134 : i32
      %sign3A_136 = arith.constant 0 : i32
      %sign3A_137 = arith.cmpi sgt, %jit3A_127, %sign3A_136 : i32
      %sign3A_138 = arith.extui %sign3A_137 : i1 to i32
      %sign3A_139 = arith.constant 0 : i32
      %sign3A_140 = arith.cmpi slt, %jit3A_127, %sign3A_139 : i32
      %sign3A_141 = arith.extui %sign3A_140 : i1 to i32
      %sign3A_142 = arith.subi %sign3A_138, %sign3A_141 : i32
      %ne3A_143 = arith.cmpi ne, %sign3A_135, %sign3A_142 : i32
      %rem3A_144 = arith.remsi %add3A_126, %jit3A_127 : i32
      %ne3A_145 = arith.constant 0 : i32
      %ne3A_146 = arith.cmpi ne, %rem3A_144, %ne3A_145 : i32
      %and3A_147 = arith.andi %ne3A_143, %ne3A_146 : i1
      %sub3A_148 = arith.constant 1 : i32
      %sub3A_149 = arith.subi %div3A_128, %sub3A_148 : i32
      %select_n3A_150 = arith.select %and3A_147, %sub3A_149, %div3A_128 : i32
      %dma_start3A_151 = arith.constant 0 : i32
      %dma_start3A_152 = arith.constant 0 : i32
      %dma_start3A_153 = arith.constant 0 : i32
      %dma_start3A_154 = tpu.memref_slice %arg7[%dma_start3A_151, %dma_start3A_152, %dma_start3A_153] : memref<2x64x128xf32, #tpu.memory_space<vmem>> -> memref<1x64x128xf32, #tpu.memory_space<vmem>>
      %dma_start3A_155 = tpu.memref_squeeze %dma_start3A_154 : memref<1x64x128xf32, #tpu.memory_space<vmem>> -> memref<64x128xf32, #tpu.memory_space<vmem>>
      %dma_start3A_156 = arith.constant 0 : i32
      %dma_start3A_157 = tpu.memref_slice %arg4[%select_n3A_150, %dma_start3A_156] : memref<163840x128xf32, #tpu.memory_space<hbm>> -> memref<64x128xf32, #tpu.memory_space<hbm>>
      %dma_start3A_158 = arith.constant 0 : i32
      %dma_start3A_159 = tpu.memref_slice %arg4[%select_n3A_150, %dma_start3A_158] : memref<163840x128xf32, #tpu.memory_space<hbm>> -> memref<64x128xf32, #tpu.memory_space<hbm>>
      %dma_start3A_160 = arith.constant 0 : i32
      %dma_start3A_161 = arith.constant 0 : i32
      %dma_start3A_162 = tpu.memref_slice %arg7[%dma_start3A_151, %dma_start3A_160, %dma_start3A_161] : memref<2x64x128xf32, #tpu.memory_space<vmem>> -> memref<1x64x128xf32, #tpu.memory_space<vmem>>
      %dma_start3A_163 = tpu.memref_squeeze %dma_start3A_162 : memref<1x64x128xf32, #tpu.memory_space<vmem>> -> memref<64x128xf32, #tpu.memory_space<vmem>>
      tpu.enqueue_dma source(%dma_start3A_163 : memref<64x128xf32, #tpu.memory_space<vmem>>) target(%dma_start3A_159 : memref<64x128xf32, #tpu.memory_space<hbm>>) target_semaphore(%arg10 : memref<!tpu.dma_semaphore, #tpu.memory_space<semaphore_mem>>)
      %add3A_164 = arith.constant 2 : i32
      %add3A_165 = arith.addi %add3A_105, %add3A_164 : i32
      %lt3A = arith.constant 80 : i32
      %lt3A_166 = arith.cmpi slt, %add3A_165, %lt3A : i32
      %convert_element_type3A_167 = arith.extui %lt3A_166 : i1 to i32
      %cond3A_168 = arith.constant 0 : i32
      %cond3A_169 = arith.cmpi ne, %convert_element_type3A_167, %cond3A_168 : i32
      scf.if %cond3A_169 {
        %add3A_240 = arith.constant 2 : i32
        %add3A_241 = arith.addi %add3A_105, %add3A_240 : i32
        %mul3A_242 = arith.constant 128 : i32
        %mul3A_243 = arith.muli %add3A_241, %mul3A_242 : i32
        %dma_start3A_244 = arith.constant 0 : i32
        %dma_start3A_245 = arith.constant 0 : i32
        %dma_start3A_246 = arith.constant 0 : i32
        %dma_start3A_247 = tpu.memref_slice %arg6[%dma_start3A_244, %dma_start3A_245, %dma_start3A_246] : memref<2x128x64xf32, #tpu.memory_space<vmem>> -> memref<1x128x64xf32, #tpu.memory_space<vmem>>
        %dma_start3A_248 = tpu.memref_squeeze %dma_start3A_247 : memref<1x128x64xf32, #tpu.memory_space<vmem>> -> memref<128x64xf32, #tpu.memory_space<vmem>>
        %dma_start3A_249 = tpu.memref_slice %arg5[%mul3A_243] : memref<10240xi32, #tpu.memory_space<vmem>> -> memref<128xi32, #tpu.memory_space<vmem>>
        %dma_start3A_250 = arith.constant 0 : i32
        %dma_start3A_251 = arith.constant 0 : i32
        %dma_start3A_252 = tpu.memref_slice %arg2[%dma_start3A_250, %dma_start3A_251] : memref<1000000x64xf32, #tpu.memory_space<hbm>> -> memref<1000000x64xf32, #tpu.memory_space<hbm>>
        tpu.enqueue_indirect_dma source(%dma_start3A_252 : memref<1000000x64xf32, #tpu.memory_space<hbm>>) target(%dma_start3A_248 : memref<128x64xf32, #tpu.memory_space<vmem>>) offsets(%dma_start3A_249 : memref<128xi32, #tpu.memory_space<vmem>>) semaphore(%arg9 : memref<!tpu.dma_semaphore, #tpu.memory_space<semaphore_mem>>)
      } else {
      }
      %add3A_170 = arith.constant 1 : i32
      %add3A_171 = arith.addi %add3A_103, %add3A_170 : i32
      %mul3A_172 = arith.constant 128 : i32
      %mul3A_173 = arith.muli %add3A_171, %mul3A_172 : i32
      %dma_wait3A_174 = arith.constant 1 : i32
      %dma_wait3A_175 = arith.constant 0 : i32
      %dma_wait3A_176 = arith.constant 0 : i32
      %dma_wait3A_177 = tpu.memref_slice %arg6[%dma_wait3A_174, %dma_wait3A_175, %dma_wait3A_176] : memref<2x128x64xf32, #tpu.memory_space<vmem>> -> memref<1x128x64xf32, #tpu.memory_space<vmem>>
      %dma_wait3A_178 = tpu.memref_squeeze %dma_wait3A_177 : memref<1x128x64xf32, #tpu.memory_space<vmem>> -> memref<128x64xf32, #tpu.memory_space<vmem>>
      %dma_wait3A_179 = tpu.memref_slice %arg5[%mul3A_173] : memref<10240xi32, #tpu.memory_space<vmem>> -> memref<128xi32, #tpu.memory_space<vmem>>
      %dma_wait3A_180 = arith.constant 0 : i32
      %dma_wait3A_181 = arith.constant 0 : i32
      %dma_wait3A_182 = tpu.memref_slice %arg2[%dma_wait3A_180, %dma_wait3A_181] : memref<1000000x64xf32, #tpu.memory_space<hbm>> -> memref<1000000x64xf32, #tpu.memory_space<hbm>>
      tpu.wait_indirect_dma semaphore(%arg9 : memref<!tpu.dma_semaphore, #tpu.memory_space<semaphore_mem>>) src(%dma_wait3A_182 : memref<1000000x64xf32, #tpu.memory_space<hbm>>) dst(%dma_wait3A_178 : memref<128x64xf32, #tpu.memory_space<vmem>>)
      %ge3A_183 = arith.constant 2 : i32
      %ge3A_184 = arith.cmpi sge, %add3A_171, %ge3A_183 : i32
      %convert_element_type3A_185 = arith.extui %ge3A_184 : i1 to i32
      %cond3A_186 = arith.constant 0 : i32
      %cond3A_187 = arith.cmpi ne, %convert_element_type3A_185, %cond3A_186 : i32
      scf.if %cond3A_187 {
        %sub3A_240 = arith.constant 2 : i32
        %sub3A_241 = arith.subi %add3A_171, %sub3A_240 : i32
        %mul3A_242 = arith.constant 128 : i32
        %mul3A_243 = arith.muli %sub3A_241, %mul3A_242 : i32
        %add3A_244 = arith.addi %mul3A_2, %mul3A_243 : i32
        %jit3A_245 = arith.constant 2 : i32
        %div3A_246 = arith.divsi %add3A_244, %jit3A_245 : i32
        %sign3A_247 = arith.constant 0 : i32
        %sign3A_248 = arith.cmpi sgt, %add3A_244, %sign3A_247 : i32
        %sign3A_249 = arith.extui %sign3A_248 : i1 to i32
        %sign3A_250 = arith.constant 0 : i32
        %sign3A_251 = arith.cmpi slt, %add3A_244, %sign3A_250 : i32
        %sign3A_252 = arith.extui %sign3A_251 : i1 to i32
        %sign3A_253 = arith.subi %sign3A_249, %sign3A_252 : i32
        %sign3A_254 = arith.constant 0 : i32
        %sign3A_255 = arith.cmpi sgt, %jit3A_245, %sign3A_254 : i32
        %sign3A_256 = arith.extui %sign3A_255 : i1 to i32
        %sign3A_257 = arith.constant 0 : i32
        %sign3A_258 = arith.cmpi slt, %jit3A_245, %sign3A_257 : i32
        %sign3A_259 = arith.extui %sign3A_258 : i1 to i32
        %sign3A_260 = arith.subi %sign3A_256, %sign3A_259 : i32
        %ne3A_261 = arith.cmpi ne, %sign3A_253, %sign3A_260 : i32
        %rem3A_262 = arith.remsi %add3A_244, %jit3A_245 : i32
        %ne3A_263 = arith.constant 0 : i32
        %ne3A_264 = arith.cmpi ne, %rem3A_262, %ne3A_263 : i32
        %and3A_265 = arith.andi %ne3A_261, %ne3A_264 : i1
        %sub3A_266 = arith.constant 1 : i32
        %sub3A_267 = arith.subi %div3A_246, %sub3A_266 : i32
        %select_n3A_268 = arith.select %and3A_265, %sub3A_267, %div3A_246 : i32
        %dma_wait3A_269 = arith.constant 1 : i32
        %dma_wait3A_270 = arith.constant 0 : i32
        %dma_wait3A_271 = arith.constant 0 : i32
        %dma_wait3A_272 = tpu.memref_slice %arg7[%dma_wait3A_269, %dma_wait3A_270, %dma_wait3A_271] : memref<2x64x128xf32, #tpu.memory_space<vmem>> -> memref<1x64x128xf32, #tpu.memory_space<vmem>>
        %dma_wait3A_273 = tpu.memref_squeeze %dma_wait3A_272 : memref<1x64x128xf32, #tpu.memory_space<vmem>> -> memref<64x128xf32, #tpu.memory_space<vmem>>
        %dma_wait3A_274 = arith.constant 0 : i32
        %dma_wait3A_275 = tpu.memref_slice %arg4[%select_n3A_268, %dma_wait3A_274] : memref<163840x128xf32, #tpu.memory_space<hbm>> -> memref<64x128xf32, #tpu.memory_space<hbm>>
        %dma_wait3A_276 = arith.constant 0 : i32
        %dma_wait3A_277 = tpu.memref_slice %arg4[%select_n3A_268, %dma_wait3A_276] : memref<163840x128xf32, #tpu.memory_space<hbm>> -> memref<64x128xf32, #tpu.memory_space<hbm>>
        %dma_wait3A_278 = arith.constant 0 : i32
        %dma_wait3A_279 = arith.constant 0 : i32
        %dma_wait3A_280 = tpu.memref_slice %arg7[%dma_wait3A_269, %dma_wait3A_278, %dma_wait3A_279] : memref<2x64x128xf32, #tpu.memory_space<vmem>> -> memref<1x64x128xf32, #tpu.memory_space<vmem>>
        %dma_wait3A_281 = tpu.memref_squeeze %dma_wait3A_280 : memref<1x64x128xf32, #tpu.memory_space<vmem>> -> memref<64x128xf32, #tpu.memory_space<vmem>>
        tpu.wait_dma2 semaphore(%arg10 : memref<!tpu.dma_semaphore, #tpu.memory_space<semaphore_mem>>) src(%dma_wait3A_281 : memref<64x128xf32, #tpu.memory_space<vmem>>) dst(%dma_wait3A_277 : memref<64x128xf32, #tpu.memory_space<hbm>>)
      } else {
      }
      %scan3A_188 = arith.constant 0 : i32
      %scan3A_189 = arith.constant 64 : i32
      %scan3A_190 = arith.addi %scan3A_188, %scan3A_189 : i32
      %scan3A_191 = arith.constant 1 : i32
      scf.for %scan3A_240 = %scan3A_188 to %scan3A_190 step %scan3A_191  : i32 {
        %mul3A_241 = arith.constant 1 : i32
        %mul3A_242 = arith.muli %scan3A_240, %mul3A_241 : i32
        %add3A_243 = arith.constant 0 : i32
        %add3A_244 = arith.addi %add3A_243, %mul3A_242 : i32
        %mul3A_245 = arith.constant 2 : i32
        %mul3A_246 = arith.muli %mul3A_245, %add3A_244 : i32
        %add3A_247 = arith.constant 0 : i32
        %add3A_248 = arith.addi %mul3A_246, %add3A_247 : i32
        %get3A = arith.constant 1 : i32
        %get3A_249 = arith.index_cast %get3A : i32 to index
        %get3A_250 = arith.index_cast %add3A_248 : i32 to index
        %get3A_251 = arith.constant 0 : index
        %get3A_252 = tpu.vector_load %arg6[%get3A_249, %get3A_250, %get3A_251] {strides = array<i32>} : memref<2x128x64xf32, #tpu.memory_space<vmem>>, vector<1x1x16xf32>,
        %get3A_253 = vector.shape_cast %get3A_252 : vector<1x1x16xf32> to vector<16xf32>
        %mul3A_254 = arith.constant 8.000000e+00 : f32
        %mul3A_255 = vector.broadcast %mul3A_254 : f32 to vector<16xf32>
        %mul3A_256 = arith.mulf %get3A_253, %mul3A_255 : vector<16xf32>
        %swap3A = arith.constant 1 : i32
        %swap3A_257 = arith.index_cast %swap3A : i32 to index
        %swap3A_258 = arith.index_cast %add3A_244 : i32 to index
        %swap3A_259 = arith.constant 0 : index
        %swap3A_260 = tpu.vector_load %arg7[%swap3A_257, %swap3A_258, %swap3A_259] {strides = array<i32>} : memref<2x64x128xf32, #tpu.memory_space<vmem>>, vector<1x1x16xf32>,
        %swap3A_261 = vector.shape_cast %swap3A_260 : vector<1x1x16xf32> to vector<16xf32>
        %swap3A_262 = vector.shape_cast %mul3A_256 : vector<16xf32> to vector<1x1x16xf32>
        tpu.vector_store %arg7[%swap3A_257, %swap3A_258, %swap3A_259], %swap3A_262 {strides = array<i32>} : memref<2x64x128xf32, #tpu.memory_space<vmem>>, vector<1x1x16xf32>,
        %mul3A_263 = arith.constant 2 : i32
        %mul3A_264 = arith.muli %mul3A_263, %add3A_244 : i32
        %add3A_265 = arith.constant 0 : i32
        %add3A_266 = arith.addi %mul3A_264, %add3A_265 : i32
        %get3A_267 = arith.constant 1 : i32
        %get3A_268 = arith.index_cast %get3A_267 : i32 to index
        %get3A_269 = arith.index_cast %add3A_266 : i32 to index
        %get3A_270 = arith.constant 16 : index
        %get3A_271 = tpu.vector_load %arg6[%get3A_268, %get3A_269, %get3A_270] {strides = array<i32>} : memref<2x128x64xf32, #tpu.memory_space<vmem>>, vector<1x1x16xf32>,
        %get3A_272 = vector.shape_cast %get3A_271 : vector<1x1x16xf32> to vector<16xf32>
        %mul3A_273 = arith.constant 8.000000e+00 : f32
        %mul3A_274 = vector.broadcast %mul3A_273 : f32 to vector<16xf32>
        %mul3A_275 = arith.mulf %get3A_272, %mul3A_274 : vector<16xf32>
        %swap3A_276 = arith.constant 1 : i32
        %swap3A_277 = arith.index_cast %swap3A_276 : i32 to index
        %swap3A_278 = arith.index_cast %add3A_244 : i32 to index
        %swap3A_279 = arith.constant 16 : index
        %swap3A_280 = tpu.vector_load %arg7[%swap3A_277, %swap3A_278, %swap3A_279] {strides = array<i32>} : memref<2x64x128xf32, #tpu.memory_space<vmem>>, vector<1x1x16xf32>,
        %swap3A_281 = vector.shape_cast %swap3A_280 : vector<1x1x16xf32> to vector<16xf32>
        %swap3A_282 = vector.shape_cast %mul3A_275 : vector<16xf32> to vector<1x1x16xf32>
        tpu.vector_store %arg7[%swap3A_277, %swap3A_278, %swap3A_279], %swap3A_282 {strides = array<i32>} : memref<2x64x128xf32, #tpu.memory_space<vmem>>, vector<1x1x16xf32>,
        %mul3A_283 = arith.constant 2 : i32
        %mul3A_284 = arith.muli %mul3A_283, %add3A_244 : i32
        %add3A_285 = arith.constant 0 : i32
        %add3A_286 = arith.addi %mul3A_284, %add3A_285 : i32
        %get3A_287 = arith.constant 1 : i32
        %get3A_288 = arith.index_cast %get3A_287 : i32 to index
        %get3A_289 = arith.index_cast %add3A_286 : i32 to index
        %get3A_290 = arith.constant 32 : index
        %get3A_291 = tpu.vector_load %arg6[%get3A_288, %get3A_289, %get3A_290] {strides = array<i32>} : memref<2x128x64xf32, #tpu.memory_space<vmem>>, vector<1x1x16xf32>,
        %get3A_292 = vector.shape_cast %get3A_291 : vector<1x1x16xf32> to vector<16xf32>
        %mul3A_293 = arith.constant 8.000000e+00 : f32
        %mul3A_294 = vector.broadcast %mul3A_293 : f32 to vector<16xf32>
        %mul3A_295 = arith.mulf %get3A_292, %mul3A_294 : vector<16xf32>
        %swap3A_296 = arith.constant 1 : i32
        %swap3A_297 = arith.index_cast %swap3A_296 : i32 to index
        %swap3A_298 = arith.index_cast %add3A_244 : i32 to index
        %swap3A_299 = arith.constant 32 : index
        %swap3A_300 = tpu.vector_load %arg7[%swap3A_297, %swap3A_298, %swap3A_299] {strides = array<i32>} : memref<2x64x128xf32, #tpu.memory_space<vmem>>, vector<1x1x16xf32>,
        %swap3A_301 = vector.shape_cast %swap3A_300 : vector<1x1x16xf32> to vector<16xf32>
        %swap3A_302 = vector.shape_cast %mul3A_295 : vector<16xf32> to vector<1x1x16xf32>
        tpu.vector_store %arg7[%swap3A_297, %swap3A_298, %swap3A_299], %swap3A_302 {strides = array<i32>} : memref<2x64x128xf32, #tpu.memory_space<vmem>>, vector<1x1x16xf32>,
        %mul3A_303 = arith.constant 2 : i32
        %mul3A_304 = arith.muli %mul3A_303, %add3A_244 : i32
        %add3A_305 = arith.constant 0 : i32
        %add3A_306 = arith.addi %mul3A_304, %add3A_305 : i32
        %get3A_307 = arith.constant 1 : i32
        %get3A_308 = arith.index_cast %get3A_307 : i32 to index
        %get3A_309 = arith.index_cast %add3A_306 : i32 to index
        %get3A_310 = arith.constant 48 : index
        %get3A_311 = tpu.vector_load %arg6[%get3A_308, %get3A_309, %get3A_310] {strides = array<i32>} : memref<2x128x64xf32, #tpu.memory_space<vmem>>, vector<1x1x16xf32>,
        %get3A_312 = vector.shape_cast %get3A_311 : vector<1x1x16xf32> to vector<16xf32>
        %mul3A_313 = arith.constant 8.000000e+00 : f32
        %mul3A_314 = vector.broadcast %mul3A_313 : f32 to vector<16xf32>
        %mul3A_315 = arith.mulf %get3A_312, %mul3A_314 : vector<16xf32>
        %swap3A_316 = arith.constant 1 : i32
        %swap3A_317 = arith.index_cast %swap3A_316 : i32 to index
        %swap3A_318 = arith.index_cast %add3A_244 : i32 to index
        %swap3A_319 = arith.constant 48 : index
        %swap3A_320 = tpu.vector_load %arg7[%swap3A_317, %swap3A_318, %swap3A_319] {strides = array<i32>} : memref<2x64x128xf32, #tpu.memory_space<vmem>>, vector<1x1x16xf32>,
        %swap3A_321 = vector.shape_cast %swap3A_320 : vector<1x1x16xf32> to vector<16xf32>
        %swap3A_322 = vector.shape_cast %mul3A_315 : vector<16xf32> to vector<1x1x16xf32>
        tpu.vector_store %arg7[%swap3A_317, %swap3A_318, %swap3A_319], %swap3A_322 {strides = array<i32>} : memref<2x64x128xf32, #tpu.memory_space<vmem>>, vector<1x1x16xf32>,
        %mul3A_323 = arith.constant 2 : i32
        %mul3A_324 = arith.muli %mul3A_323, %add3A_244 : i32
        %add3A_325 = arith.constant 1 : i32
        %add3A_326 = arith.addi %mul3A_324, %add3A_325 : i32
        %get3A_327 = arith.constant 1 : i32
        %get3A_328 = arith.index_cast %get3A_327 : i32 to index
        %get3A_329 = arith.index_cast %add3A_326 : i32 to index
        %get3A_330 = arith.constant 0 : index
        %get3A_331 = tpu.vector_load %arg6[%get3A_328, %get3A_329, %get3A_330] {strides = array<i32>} : memref<2x128x64xf32, #tpu.memory_space<vmem>>, vector<1x1x16xf32>,
        %get3A_332 = vector.shape_cast %get3A_331 : vector<1x1x16xf32> to vector<16xf32>
        %mul3A_333 = arith.constant 8.000000e+00 : f32
        %mul3A_334 = vector.broadcast %mul3A_333 : f32 to vector<16xf32>
        %mul3A_335 = arith.mulf %get3A_332, %mul3A_334 : vector<16xf32>
        %swap3A_336 = arith.constant 1 : i32
        %swap3A_337 = arith.index_cast %swap3A_336 : i32 to index
        %swap3A_338 = arith.index_cast %add3A_244 : i32 to index
        %swap3A_339 = arith.constant 64 : index
        %swap3A_340 = tpu.vector_load %arg7[%swap3A_337, %swap3A_338, %swap3A_339] {strides = array<i32>} : memref<2x64x128xf32, #tpu.memory_space<vmem>>, vector<1x1x16xf32>,
        %swap3A_341 = vector.shape_cast %swap3A_340 : vector<1x1x16xf32> to vector<16xf32>
        %swap3A_342 = vector.shape_cast %mul3A_335 : vector<16xf32> to vector<1x1x16xf32>
        tpu.vector_store %arg7[%swap3A_337, %swap3A_338, %swap3A_339], %swap3A_342 {strides = array<i32>} : memref<2x64x128xf32, #tpu.memory_space<vmem>>, vector<1x1x16xf32>,
        %mul3A_343 = arith.constant 2 : i32
        %mul3A_344 = arith.muli %mul3A_343, %add3A_244 : i32
        %add3A_345 = arith.constant 1 : i32
        %add3A_346 = arith.addi %mul3A_344, %add3A_345 : i32
        %get3A_347 = arith.constant 1 : i32
        %get3A_348 = arith.index_cast %get3A_347 : i32 to index
        %get3A_349 = arith.index_cast %add3A_346 : i32 to index
        %get3A_350 = arith.constant 16 : index
        %get3A_351 = tpu.vector_load %arg6[%get3A_348, %get3A_349, %get3A_350] {strides = array<i32>} : memref<2x128x64xf32, #tpu.memory_space<vmem>>, vector<1x1x16xf32>,
        %get3A_352 = vector.shape_cast %get3A_351 : vector<1x1x16xf32> to vector<16xf32>
        %mul3A_353 = arith.constant 8.000000e+00 : f32
        %mul3A_354 = vector.broadcast %mul3A_353 : f32 to vector<16xf32>
        %mul3A_355 = arith.mulf %get3A_352, %mul3A_354 : vector<16xf32>
        %swap3A_356 = arith.constant 1 : i32
        %swap3A_357 = arith.index_cast %swap3A_356 : i32 to index
        %swap3A_358 = arith.index_cast %add3A_244 : i32 to index
        %swap3A_359 = arith.constant 80 : index
        %swap3A_360 = tpu.vector_load %arg7[%swap3A_357, %swap3A_358, %swap3A_359] {strides = array<i32>} : memref<2x64x128xf32, #tpu.memory_space<vmem>>, vector<1x1x16xf32>,
        %swap3A_361 = vector.shape_cast %swap3A_360 : vector<1x1x16xf32> to vector<16xf32>
        %swap3A_362 = vector.shape_cast %mul3A_355 : vector<16xf32> to vector<1x1x16xf32>
        tpu.vector_store %arg7[%swap3A_357, %swap3A_358, %swap3A_359], %swap3A_362 {strides = array<i32>} : memref<2x64x128xf32, #tpu.memory_space<vmem>>, vector<1x1x16xf32>,
        %mul3A_363 = arith.constant 2 : i32
        %mul3A_364 = arith.muli %mul3A_363, %add3A_244 : i32
        %add3A_365 = arith.constant 1 : i32
        %add3A_366 = arith.addi %mul3A_364, %add3A_365 : i32
        %get3A_367 = arith.constant 1 : i32
        %get3A_368 = arith.index_cast %get3A_367 : i32 to index
        %get3A_369 = arith.index_cast %add3A_366 : i32 to index
        %get3A_370 = arith.constant 32 : index
        %get3A_371 = tpu.vector_load %arg6[%get3A_368, %get3A_369, %get3A_370] {strides = array<i32>} : memref<2x128x64xf32, #tpu.memory_space<vmem>>, vector<1x1x16xf32>,
        %get3A_372 = vector.shape_cast %get3A_371 : vector<1x1x16xf32> to vector<16xf32>
        %mul3A_373 = arith.constant 8.000000e+00 : f32
        %mul3A_374 = vector.broadcast %mul3A_373 : f32 to vector<16xf32>
        %mul3A_375 = arith.mulf %get3A_372, %mul3A_374 : vector<16xf32>
        %swap3A_376 = arith.constant 1 : i32
        %swap3A_377 = arith.index_cast %swap3A_376 : i32 to index
        %swap3A_378 = arith.index_cast %add3A_244 : i32 to index
        %swap3A_379 = arith.constant 96 : index
        %swap3A_380 = tpu.vector_load %arg7[%swap3A_377, %swap3A_378, %swap3A_379] {strides = array<i32>} : memref<2x64x128xf32, #tpu.memory_space<vmem>>, vector<1x1x16xf32>,
        %swap3A_381 = vector.shape_cast %swap3A_380 : vector<1x1x16xf32> to vector<16xf32>
        %swap3A_382 = vector.shape_cast %mul3A_375 : vector<16xf32> to vector<1x1x16xf32>
        tpu.vector_store %arg7[%swap3A_377, %swap3A_378, %swap3A_379], %swap3A_382 {strides = array<i32>} : memref<2x64x128xf32, #tpu.memory_space<vmem>>, vector<1x1x16xf32>,
        %mul3A_383 = arith.constant 2 : i32
        %mul3A_384 = arith.muli %mul3A_383, %add3A_244 : i32
        %add3A_385 = arith.constant 1 : i32
        %add3A_386 = arith.addi %mul3A_384, %add3A_385 : i32
        %get3A_387 = arith.constant 1 : i32
        %get3A_388 = arith.index_cast %get3A_387 : i32 to index
        %get3A_389 = arith.index_cast %add3A_386 : i32 to index
        %get3A_390 = arith.constant 48 : index
        %get3A_391 = tpu.vector_load %arg6[%get3A_388, %get3A_389, %get3A_390] {strides = array<i32>} : memref<2x128x64xf32, #tpu.memory_space<vmem>>, vector<1x1x16xf32>,
        %get3A_392 = vector.shape_cast %get3A_391 : vector<1x1x16xf32> to vector<16xf32>
        %mul3A_393 = arith.constant 8.000000e+00 : f32
        %mul3A_394 = vector.broadcast %mul3A_393 : f32 to vector<16xf32>
        %mul3A_395 = arith.mulf %get3A_392, %mul3A_394 : vector<16xf32>
        %swap3A_396 = arith.constant 1 : i32
        %swap3A_397 = arith.index_cast %swap3A_396 : i32 to index
        %swap3A_398 = arith.index_cast %add3A_244 : i32 to index
        %swap3A_399 = arith.constant 112 : index
        %swap3A_400 = tpu.vector_load %arg7[%swap3A_397, %swap3A_398, %swap3A_399] {strides = array<i32>} : memref<2x64x128xf32, #tpu.memory_space<vmem>>, vector<1x1x16xf32>,
        %swap3A_401 = vector.shape_cast %swap3A_400 : vector<1x1x16xf32> to vector<16xf32>
        %swap3A_402 = vector.shape_cast %mul3A_395 : vector<16xf32> to vector<1x1x16xf32>
        tpu.vector_store %arg7[%swap3A_397, %swap3A_398, %swap3A_399], %swap3A_402 {strides = array<i32>} : memref<2x64x128xf32, #tpu.memory_space<vmem>>, vector<1x1x16xf32>,
      }
      %scan3A_192 = arith.constant 64 : i32
      %mul3A_193 = arith.constant 128 : i32
      %mul3A_194 = arith.muli %add3A_171, %mul3A_193 : i32
      %add3A_195 = arith.addi %mul3A_2, %mul3A_194 : i32
      %jit3A_196 = arith.constant 2 : i32
      %div3A_197 = arith.divsi %add3A_195, %jit3A_196 : i32
      %sign3A_198 = arith.constant 0 : i32
      %sign3A_199 = arith.cmpi sgt, %add3A_195, %sign3A_198 : i32
      %sign3A_200 = arith.extui %sign3A_199 : i1 to i32
      %sign3A_201 = arith.constant 0 : i32
      %sign3A_202 = arith.cmpi slt, %add3A_195, %sign3A_201 : i32
      %sign3A_203 = arith.extui %sign3A_202 : i1 to i32
      %sign3A_204 = arith.subi %sign3A_200, %sign3A_203 : i32
      %sign3A_205 = arith.constant 0 : i32
      %sign3A_206 = arith.cmpi sgt, %jit3A_196, %sign3A_205 : i32
      %sign3A_207 = arith.extui %sign3A_206 : i1 to i32
      %sign3A_208 = arith.constant 0 : i32
      %sign3A_209 = arith.cmpi slt, %jit3A_196, %sign3A_208 : i32
      %sign3A_210 = arith.extui %sign3A_209 : i1 to i32
      %sign3A_211 = arith.subi %sign3A_207, %sign3A_210 : i32
      %ne3A_212 = arith.cmpi ne, %sign3A_204, %sign3A_211 : i32
      %rem3A_213 = arith.remsi %add3A_195, %jit3A_196 : i32
      %ne3A_214 = arith.constant 0 : i32
      %ne3A_215 = arith.cmpi ne, %rem3A_213, %ne3A_214 : i32
      %and3A_216 = arith.andi %ne3A_212, %ne3A_215 : i1
      %sub3A_217 = arith.constant 1 : i32
      %sub3A_218 = arith.subi %div3A_197, %sub3A_217 : i32
      %select_n3A_219 = arith.select %and3A_216, %sub3A_218, %div3A_197 : i32
      %dma_start3A_220 = arith.constant 1 : i32
      %dma_start3A_221 = arith.constant 0 : i32
      %dma_start3A_222 = arith.constant 0 : i32
      %dma_start3A_223 = tpu.memref_slice %arg7[%dma_start3A_220, %dma_start3A_221, %dma_start3A_222] : memref<2x64x128xf32, #tpu.memory_space<vmem>> -> memref<1x64x128xf32, #tpu.memory_space<vmem>>
      %dma_start3A_224 = tpu.memref_squeeze %dma_start3A_223 : memref<1x64x128xf32, #tpu.memory_space<vmem>> -> memref<64x128xf32, #tpu.memory_space<vmem>>
      %dma_start3A_225 = arith.constant 0 : i32
      %dma_start3A_226 = tpu.memref_slice %arg4[%select_n3A_219, %dma_start3A_225] : memref<163840x128xf32, #tpu.memory_space<hbm>> -> memref<64x128xf32, #tpu.memory_space<hbm>>
      %dma_start3A_227 = arith.constant 0 : i32
      %dma_start3A_228 = tpu.memref_slice %arg4[%select_n3A_219, %dma_start3A_227] : memref<163840x128xf32, #tpu.memory_space<hbm>> -> memref<64x128xf32, #tpu.memory_space<hbm>>
      %dma_start3A_229 = arith.constant 0 : i32
      %dma_start3A_230 = arith.constant 0 : i32
      %dma_start3A_231 = tpu.memref_slice %arg7[%dma_start3A_220, %dma_start3A_229, %dma_start3A_230] : memref<2x64x128xf32, #tpu.memory_space<vmem>> -> memref<1x64x128xf32, #tpu.memory_space<vmem>>
      %dma_start3A_232 = tpu.memref_squeeze %dma_start3A_231 : memref<1x64x128xf32, #tpu.memory_space<vmem>> -> memref<64x128xf32, #tpu.memory_space<vmem>>
      tpu.enqueue_dma source(%dma_start3A_232 : memref<64x128xf32, #tpu.memory_space<vmem>>) target(%dma_start3A_228 : memref<64x128xf32, #tpu.memory_space<hbm>>) target_semaphore(%arg10 : memref<!tpu.dma_semaphore, #tpu.memory_space<semaphore_mem>>)
      %add3A_233 = arith.constant 2 : i32
      %add3A_234 = arith.addi %add3A_171, %add3A_233 : i32
      %lt3A_235 = arith.constant 80 : i32
      %lt3A_236 = arith.cmpi slt, %add3A_234, %lt3A_235 : i32
      %convert_element_type3A_237 = arith.extui %lt3A_236 : i1 to i32
      %cond3A_238 = arith.constant 0 : i32
      %cond3A_239 = arith.cmpi ne, %convert_element_type3A_237, %cond3A_238 : i32
      scf.if %cond3A_239 {
        %add3A_240 = arith.constant 2 : i32
        %add3A_241 = arith.addi %add3A_171, %add3A_240 : i32
        %mul3A_242 = arith.constant 128 : i32
        %mul3A_243 = arith.muli %add3A_241, %mul3A_242 : i32
        %dma_start3A_244 = arith.constant 1 : i32
        %dma_start3A_245 = arith.constant 0 : i32
        %dma_start3A_246 = arith.constant 0 : i32
        %dma_start3A_247 = tpu.memref_slice %arg6[%dma_start3A_244, %dma_start3A_245, %dma_start3A_246] : memref<2x128x64xf32, #tpu.memory_space<vmem>> -> memref<1x128x64xf32, #tpu.memory_space<vmem>>
        %dma_start3A_248 = tpu.memref_squeeze %dma_start3A_247 : memref<1x128x64xf32, #tpu.memory_space<vmem>> -> memref<128x64xf32, #tpu.memory_space<vmem>>
        %dma_start3A_249 = tpu.memref_slice %arg5[%mul3A_243] : memref<10240xi32, #tpu.memory_space<vmem>> -> memref<128xi32, #tpu.memory_space<vmem>>
        %dma_start3A_250 = arith.constant 0 : i32
        %dma_start3A_251 = arith.constant 0 : i32
        %dma_start3A_252 = tpu.memref_slice %arg2[%dma_start3A_250, %dma_start3A_251] : memref<1000000x64xf32, #tpu.memory_space<hbm>> -> memref<1000000x64xf32, #tpu.memory_space<hbm>>
        tpu.enqueue_indirect_dma source(%dma_start3A_252 : memref<1000000x64xf32, #tpu.memory_space<hbm>>) target(%dma_start3A_248 : memref<128x64xf32, #tpu.memory_space<vmem>>) offsets(%dma_start3A_249 : memref<128xi32, #tpu.memory_space<vmem>>) semaphore(%arg9 : memref<!tpu.dma_semaphore, #tpu.memory_space<semaphore_mem>>)
      } else {
      }
    }
    %scan3A_28 = arith.constant 40 : i32
    %add3A_29 = arith.constant 9984 : i32
    %add3A_30 = arith.addi %mul3A_2, %add3A_29 : i32
    %jit3A = arith.constant 2 : i32
    %div3A = arith.divsi %add3A_30, %jit3A : i32
    %sign3A = arith.constant 0 : i32
    %sign3A_31 = arith.cmpi sgt, %add3A_30, %sign3A : i32
    %sign3A_32 = arith.extui %sign3A_31 : i1 to i32
    %sign3A_33 = arith.constant 0 : i32
    %sign3A_34 = arith.cmpi slt, %add3A_30, %sign3A_33 : i32
    %sign3A_35 = arith.extui %sign3A_34 : i1 to i32
    %sign3A_36 = arith.subi %sign3A_32, %sign3A_35 : i32
    %sign3A_37 = arith.constant 0 : i32
    %sign3A_38 = arith.cmpi sgt, %jit3A, %sign3A_37 : i32
    %sign3A_39 = arith.extui %sign3A_38 : i1 to i32
    %sign3A_40 = arith.constant 0 : i32
    %sign3A_41 = arith.cmpi slt, %jit3A, %sign3A_40 : i32
    %sign3A_42 = arith.extui %sign3A_41 : i1 to i32
    %sign3A_43 = arith.subi %sign3A_39, %sign3A_42 : i32
    %ne3A = arith.cmpi ne, %sign3A_36, %sign3A_43 : i32
    %rem3A = arith.remsi %add3A_30, %jit3A : i32
    %ne3A_44 = arith.constant 0 : i32
    %ne3A_45 = arith.cmpi ne, %rem3A, %ne3A_44 : i32
    %and3A = arith.andi %ne3A, %ne3A_45 : i1
    %sub3A = arith.constant 1 : i32
    %sub3A_46 = arith.subi %div3A, %sub3A : i32
    %select_n3A = arith.select %and3A, %sub3A_46, %div3A : i32
    %dma_wait3A_47 = arith.constant 0 : i32
    %dma_wait3A_48 = arith.constant 0 : i32
    %dma_wait3A_49 = arith.constant 0 : i32
    %dma_wait3A_50 = tpu.memref_slice %arg7[%dma_wait3A_47, %dma_wait3A_48, %dma_wait3A_49] : memref<2x64x128xf32, #tpu.memory_space<vmem>> -> memref<1x64x128xf32, #tpu.memory_space<vmem>>
    %dma_wait3A_51 = tpu.memref_squeeze %dma_wait3A_50 : memref<1x64x128xf32, #tpu.memory_space<vmem>> -> memref<64x128xf32, #tpu.memory_space<vmem>>
    %dma_wait3A_52 = arith.constant 0 : i32
    %dma_wait3A_53 = tpu.memref_slice %arg4[%select_n3A, %dma_wait3A_52] : memref<163840x128xf32, #tpu.memory_space<hbm>> -> memref<64x128xf32, #tpu.memory_space<hbm>>
    %dma_wait3A_54 = arith.constant 0 : i32
    %dma_wait3A_55 = tpu.memref_slice %arg4[%select_n3A, %dma_wait3A_54] : memref<163840x128xf32, #tpu.memory_space<hbm>> -> memref<64x128xf32, #tpu.memory_space<hbm>>
    %dma_wait3A_56 = arith.constant 0 : i32
    %dma_wait3A_57 = arith.constant 0 : i32
    %dma_wait3A_58 = tpu.memref_slice %arg7[%dma_wait3A_47, %dma_wait3A_56, %dma_wait3A_57] : memref<2x64x128xf32, #tpu.memory_space<vmem>> -> memref<1x64x128xf32, #tpu.memory_space<vmem>>
    %dma_wait3A_59 = tpu.memref_squeeze %dma_wait3A_58 : memref<1x64x128xf32, #tpu.memory_space<vmem>> -> memref<64x128xf32, #tpu.memory_space<vmem>>
    tpu.wait_dma2 semaphore(%arg10 : memref<!tpu.dma_semaphore, #tpu.memory_space<semaphore_mem>>) src(%dma_wait3A_59 : memref<64x128xf32, #tpu.memory_space<vmem>>) dst(%dma_wait3A_55 : memref<64x128xf32, #tpu.memory_space<hbm>>)
    %add3A_60 = arith.constant 10112 : i32
    %add3A_61 = arith.addi %mul3A_2, %add3A_60 : i32
    %jit3A_62 = arith.constant 2 : i32
    %div3A_63 = arith.divsi %add3A_61, %jit3A_62 : i32
    %sign3A_64 = arith.constant 0 : i32
    %sign3A_65 = arith.cmpi sgt, %add3A_61, %sign3A_64 : i32
    %sign3A_66 = arith.extui %sign3A_65 : i1 to i32
    %sign3A_67 = arith.constant 0 : i32
    %sign3A_68 = arith.cmpi slt, %add3A_61, %sign3A_67 : i32
    %sign3A_69 = arith.extui %sign3A_68 : i1 to i32
    %sign3A_70 = arith.subi %sign3A_66, %sign3A_69 : i32
    %sign3A_71 = arith.constant 0 : i32
    %sign3A_72 = arith.cmpi sgt, %jit3A_62, %sign3A_71 : i32
    %sign3A_73 = arith.extui %sign3A_72 : i1 to i32
    %sign3A_74 = arith.constant 0 : i32
    %sign3A_75 = arith.cmpi slt, %jit3A_62, %sign3A_74 : i32
    %sign3A_76 = arith.extui %sign3A_75 : i1 to i32
    %sign3A_77 = arith.subi %sign3A_73, %sign3A_76 : i32
    %ne3A_78 = arith.cmpi ne, %sign3A_70, %sign3A_77 : i32
    %rem3A_79 = arith.remsi %add3A_61, %jit3A_62 : i32
    %ne3A_80 = arith.constant 0 : i32
    %ne3A_81 = arith.cmpi ne, %rem3A_79, %ne3A_80 : i32
    %and3A_82 = arith.andi %ne3A_78, %ne3A_81 : i1
    %sub3A_83 = arith.constant 1 : i32
    %sub3A_84 = arith.subi %div3A_63, %sub3A_83 : i32
    %select_n3A_85 = arith.select %and3A_82, %sub3A_84, %div3A_63 : i32
    %dma_wait3A_86 = arith.constant 1 : i32
    %dma_wait3A_87 = arith.constant 0 : i32
    %dma_wait3A_88 = arith.constant 0 : i32
    %dma_wait3A_89 = tpu.memref_slice %arg7[%dma_wait3A_86, %dma_wait3A_87, %dma_wait3A_88] : memref<2x64x128xf32, #tpu.memory_space<vmem>> -> memref<1x64x128xf32, #tpu.memory_space<vmem>>
    %dma_wait3A_90 = tpu.memref_squeeze %dma_wait3A_89 : memref<1x64x128xf32, #tpu.memory_space<vmem>> -> memref<64x128xf32, #tpu.memory_space<vmem>>
    %dma_wait3A_91 = arith.constant 0 : i32
    %dma_wait3A_92 = tpu.memref_slice %arg4[%select_n3A_85, %dma_wait3A_91] : memref<163840x128xf32, #tpu.memory_space<hbm>> -> memref<64x128xf32, #tpu.memory_space<hbm>>
    %dma_wait3A_93 = arith.constant 0 : i32
    %dma_wait3A_94 = tpu.memref_slice %arg4[%select_n3A_85, %dma_wait3A_93] : memref<163840x128xf32, #tpu.memory_space<hbm>> -> memref<64x128xf32, #tpu.memory_space<hbm>>
    %dma_wait3A_95 = arith.constant 0 : i32
    %dma_wait3A_96 = arith.constant 0 : i32
    %dma_wait3A_97 = tpu.memref_slice %arg7[%dma_wait3A_86, %dma_wait3A_95, %dma_wait3A_96] : memref<2x64x128xf32, #tpu.memory_space<vmem>> -> memref<1x64x128xf32, #tpu.memory_space<vmem>>
    %dma_wait3A_98 = tpu.memref_squeeze %dma_wait3A_97 : memref<1x64x128xf32, #tpu.memory_space<vmem>> -> memref<64x128xf32, #tpu.memory_space<vmem>>
    tpu.wait_dma2 semaphore(%arg10 : memref<!tpu.dma_semaphore, #tpu.memory_space<semaphore_mem>>) src(%dma_wait3A_98 : memref<64x128xf32, #tpu.memory_space<vmem>>) dst(%dma_wait3A_94 : memref<64x128xf32, #tpu.memory_space<hbm>>)
    return
  }
}

</mosaic_0001>

<sc_bundles>
// kernel: kernel.3.cloned.1.call-start
scs
__scs_entry_jumppad:
0x0: {  	(pc) =	sbr.rel $0x88, $3  }
0x1: {  	(tag) =	ssettag $0x0;
	lr =	simm.s32 $0x1  }
0x2: {  	[smem:$0x3F9F] =	sst lr;
	_ =	strace $0xD0000000  }
0x3: {  	_ = 	snop  }
0x4: {  	_ = 	snop  }
0x5: {  	_ = 	snop  }
0x6: {  	_ = 	snop  }
0x7: {  	_ = 	snop  }
__scs_overlays_trampoline_lowered:
0x8: {  	[smem:$0x3FAE] =	sst s0  }
0x9: {  	[smem:$0x3FAF] =	sst s1  }
0xa: {  	[smem:$0x3FB0] =	sst s2  }
0xb: {  	[smem:$0x3FB1] =	sst s3  }
0xc: {  	[smem:$0x3FB2] =	sst s4  }
0xd: {  	[smem:$0x3FB3] =	sst s5  }
0xe: {  	[smem:$0x3FB4] =	sst s6  }
0xf: {  	[smem:$0x3FB5] =	sst s7  }
0x10: {  	[smem:$0x3FB6] =	sst s8  }
0x11: {  	[smem:$0x3FB7] =	sst s9;
	s0 =	simm.s32 @!p0 $0x0  }
0x12: {  	s1 =	sld [smem:$0x3F9D];
	s0 =	simm.s32 @p0 $0x1  }
0x13: {  	[smem:$0x3FB8] =	sst s0;
	s0 =	simm.s32 @!p1 $0x0  }
0x14: {  	s2 =	sld [smem:$0x3F9C];
	s0 =	simm.s32 @p1 $0x1  }
0x15: {  	[smem:$0x3FB9] =	sst s0;
	s0 =	simm.s32 @!p2 $0x0  }
0x16: {  	s3 =	sld [smem:$0x3FDB];
	s0 =	simm.s32 @p2 $0x1  }
0x17: {  	s4 =	simm.s32 $0x1BF5;
	[smem:$0x3FBB] =	sst s0  }
0x18: {  	s0 =	sld [smem:$0x3F9E];
	_ =	swait.ge [sflag:s4], $0x0  }
0x19: {  	s7 =	sld [smem:$0x3F9F]  }
0x1a: {  	s8 =	sadd.s32 $0xFFFFE003, lr  }
0x1b: {  	s9 =	sadd.s32 $0xFFFFFEF7, lr;
	s5 =	simm.s32 $0xFFFFFFFF;
	p2 =	slt.u32 s8, $0xFFFFF086  }
0x1c: {  	p1 =	slt.u32 s9, $0xF7A;
	s5 =	simm.s32 @!p2 $0x0  }
0x1d: {  	s5 =	simm.s32 @p1 $0x1;
	p0 =	seq.s32 s7, s2  }
0x1e: {  	s7 =	smul.u32 @!p0 $0xF7A, s2;
	p2 =	seq.s32 @!p0 s5, $0x0  }
0x1f: {  	s9 =	smul.u32 $0xF7A, s1;
	s8 =	simm.s32 @!p0 $0x1BF5;
	p2 =	por !p2, p0  }
0x20: {  	[sflag:s8] =	ssyncset.s32 @!p0 $0xFFFFF086;
	s6 =	sadd.s32 @!p0 s3, s7;
	s7 =	simm.s32 @!p0 $0x108  }
0x21: {  	s3 =	sadd.s32 s3, s9;
	s6 =	sadd.s32 @!p0 $0x88, s6;
	s7 =	simm.s32 @p2 $0x1082  }
0x22: {  	[simem:s7], [sflag:s8] =	dma.local @!p0 [hbm:s6], $0xF7A  }
0x23: {  	s9 =	sor.u32 $0xD0000000, s2;
	s6 =	simm.s32 $0x108;
	_ =	swait.ge @!p0 [sflag:s8], $0x0  }
0x24: {  	s3 =	sadd.s32 $0x88, s3;
	s6 =	simm.s32 @!p1 $0x1082;
	[sflag:s4] =	ssyncset.s32 $0xFFFFF086  }
0x25: {  	[simem:s6], [sflag:s4] =	dma.local [hbm:s3], $0xF7A  }
0x26: {  	[smem:$0x3F9F] =	sst s1;
	(tag) =	ssettag s2;
	_ =	strace s9  }
0x27: {  	s1 =	sld [smem:$0x3FAF]  }
0x28: {  	s2 =	sld [smem:$0x3FB0]  }
0x29: {  	s4 =	sld [smem:$0x3FB2]  }
0x2a: {  	p0 =	seq.s32 s5, $0x0;
	s5 =	sld [smem:$0x3FB3]  }
0x2b: {  	s6 =	sld [smem:$0x3FB4]  }
0x2c: {  	s7 =	sld [smem:$0x3FB5]  }
0x2d: {  	s3 =	simm.s32 $0x108;
	s8 =	sld [smem:$0x3FB6]  }
0x2e: {  	s3 =	simm.s32 @!p0 $0x1082;
	s9 =	sld [smem:$0x3FB7]  }
0x2f: {  	lr =	sadd.s32 s0, s3;
	s0 =	sld [smem:$0x3FAE]  }
0x30: {  	s3 =	sld [smem:$0x3FB1]  }
0x31: {  	[smem:$0x3FBA] =	sst s10  }
0x32: {  	s10 =	sld [smem:$0x3FB8];
	_ =	sdelay $0x3  }
0x33: {  	p0 =	seq.s32 s10, $0x1;
	s10 =	sld [smem:$0x3FBA];
	_ =	sdelay $0x3  }
0x34: {  	[smem:$0x3FBA] =	sst s10  }
0x35: {  	s10 =	sld [smem:$0x3FB9];
	_ =	sdelay $0x3  }
0x36: {  	p1 =	seq.s32 s10, $0x1;
	s10 =	sld [smem:$0x3FBA];
	_ =	sdelay $0x3  }
0x37: {  	[smem:$0x3FBA] =	sst s10  }
0x38: {  	s10 =	sld [smem:$0x3FBB]  }
0x39: {  	_ = 	snop;
	(pc) =	sbr.ind lr, $3  }
0x3a: {  	_ = 	snop  }
0x3b: {  	_ = 	snop  }
0x3c: {  	p2 =	seq.s32 s10, $0x1;
	s10 =	sld [smem:$0x3FBA]  }
0x3d: {  	_ =	shalt  }
0x3e: {  	_ =	shalt  }
0x3f: {  	_ =	shalt  }
0x40: {  	_ =	shalt  }
0x41: {  	_ =	shalt  }
0x42: {  	_ =	shalt  }
0x43: {  	_ =	shalt  }
0x44: {  	_ =	shalt  }
0x45: {  	_ =	shalt  }
0x46: {  	_ =	shalt  }
0x47: {  	_ =	shalt  }
0x48: {  	_ =	shalt  }
0x49: {  	_ =	shalt  }
0x4a: {  	_ =	shalt  }
0x4b: {  	_ =	shalt  }
0x4c: {  	_ =	shalt  }
0x4d: {  	_ =	shalt  }
0x4e: {  	_ =	shalt  }
0x4f: {  	_ =	shalt  }
0x50: {  	_ =	shalt  }
0x51: {  	_ =	shalt  }
0x52: {  	_ =	shalt  }
0x53: {  	_ =	shalt  }
0x54: {  	_ =	shalt  }
0x55: {  	_ =	shalt  }
0x56: {  	_ =	shalt  }
0x57: {  	_ =	shalt  }
0x58: {  	_ =	shalt  }
0x59: {  	_ =	shalt  }
0x5a: {  	_ =	shalt  }
0x5b: {  	_ =	shalt  }
0x5c: {  	_ =	shalt  }
0x5d: {  	_ =	shalt  }
0x5e: {  	_ =	shalt  }
0x5f: {  	_ =	shalt  }
0x60: {  	_ =	shalt  }
0x61: {  	_ =	shalt  }
0x62: {  	_ =	shalt  }
0x63: {  	_ =	shalt  }
0x64: {  	_ =	shalt  }
0x65: {  	_ =	shalt  }
0x66: {  	_ =	shalt  }
0x67: {  	_ =	shalt  }
0x68: {  	_ =	shalt  }
0x69: {  	_ =	shalt  }
0x6a: {  	_ =	shalt  }
0x6b: {  	_ =	shalt  }
0x6c: {  	_ =	shalt  }
0x6d: {  	_ =	shalt  }
0x6e: {  	_ =	shalt  }
0x6f: {  	_ =	shalt  }
0x70: {  	_ =	shalt  }
0x71: {  	_ =	shalt  }
0x72: {  	_ =	shalt  }
0x73: {  	_ =	shalt  }
0x74: {  	_ =	shalt  }
0x75: {  	_ =	shalt  }
0x76: {  	_ =	shalt  }
0x77: {  	_ =	shalt  }
0x78: {  	_ =	shalt  }
0x79: {  	_ =	shalt  }
0x7a: {  	_ =	shalt  }
0x7b: {  	_ =	shalt  }
0x7c: {  	_ =	shalt  }
0x7d: {  	_ =	shalt  }
0x7e: {  	_ =	shalt  }
0x7f: {  	_ =	shalt  }
0x80: {  	_ =	shalt  }
0x81: {  	_ =	shalt  }
0x82: {  	_ =	shalt  }
0x83: {  	_ =	shalt  }
0x84: {  	_ =	shalt  }
0x85: {  	_ =	shalt  }
0x86: {  	_ =	shalt  }
0x87: {  	_ =	shalt  }
.Lfunc_end0:
.L_simem_size_0:
called_computation.1_lowered:
.L_overlay_start_0:
0x88: {  	s2 =	sld [smem:$0x3FD9]  }
0x89: {  	s3 =	sld [smem:$0x3FFE];
	_ =	sdelay $0x1  }
0x8a: {  	s1 =	srdreg.scid  }
0x8b: {  	s0 =	sand.u32 $0x1, s1  }
0x8c: {  	s17 =	sshll.u32 s0, $0xA;
	s2 =	sadd.s32 s3, s2  }
0x8d: {  	s2 =	sadd.s32 s2, s17  }
0x8e: {  	[smem:$0x3FC6] =	sst s2  }
0x8f: {  	_ = 	snop  }
0x90: {  	s2 =	sld [smem:$0x3FD0];
	(tm) =	ssettm $0x1  }
0x91: {  	s18 =	sld [smem:$0x3FFB];
	_ =	sdelay $0x3  }
0x92: {  	_ =	strace s18  }
0x93: {  	s3 =	sld [smem:$0x3FFC];
	_ =	sdelay $0x3  }
0x94: {  	_ =	strace s3  }
0x95: {  	s3 =	sld [smem:$0x3FFD];
	_ =	sdelay $0x3  }
0x96: {  	_ =	strace s3  }
0x97: {  	_ =	strace $0x8FFFFFFF  }
0x98: {  	s19 =	sld [smem:$0x3FDB];
	_ =	sdelay $0x1  }
0x99: {  	s4 =	simm.s32 $_scs_section_size  }
0x9a: {  	s5 =	simm.s32 $_size__tile_overlayer_lowered;
	s6 =	simm.s32 $_tile_overlayer_lowered  }
0x9b: {  	s22 =	simm.s32 $0x1BFF;
	s21 =	sshll.u32 s6, $0x1;
	s3 =	sadd.s32 s4, s19  }
0x9c: {  	s7 =	simm.s32 $0x0;
	s20 =	sshll.u32 s5, $0x1;
	s5 =	sadd.s32 s21, s3  }
0x9d: {  	[timem:s7], [sflag:s22] =	dma.local [hbm:s5], s20  }
0x9e: {  	_ =	swait.ge [sflag:s22], s20  }
0x9f: {  	s4 =	ssub.s32 $0x0, s20;
	[sflag:s22] =	ssyncset.done $0x0  }
0xa0: {  	[sflag:s22] =	ssyncadd.s32 s4;
	_ =	sdelay $0x1  }
0xa1: {  	s23 =	simm.s32 $0x1B8B  }
0xa2: {  	_ =	swait.ge [sflag:s23], $0x1  }
0xa3: {  	[sflag:s23] =	ssyncset.done $0x0  }
0xa4: {  	s25 =	simm.s32 $0x1B8E;
	s24 =	sld [smem:$0x3FFE];
	[sflag:s23] =	ssyncadd.s32 $0xFFFFFFFF  }
0xa5: {  	s26 =	simm.s32 $execute0_lowered;
	[smem:$0x3FD2] =	sst s25  }
0xa6: {  	s5 =	sshll.u32 s26, $0x1;
	_ =	strace $0x80000046;
	[dreg:$0x1] =	wrdreg $0xFFFFFFFF  }
0xa7: {  	s28 =	simm.s32 $_size_execute0_lowered;
	s3 =	sadd.s32 s3, s5;
	[dreg:$0x0] =	wrdreg $0x0  }
0xa8: {  	s5 =	sshll.u32 s28, $0x1;
	[dreg:$0x2] =	wrdreg s3  }
0xa9: {  	[dreg:$0x3] =	wrdreg s5  }
0xaa: {  	[dreg:$0x4] =	wrdreg $0xC0  }
0xab: {  	_ =	task [dreg:s7], $0x5FFFF  }
0xac: {  	[dreg:$0x1] =	wrdreg $0xFFFFFFFF  }
0xad: {  	[dreg:$0x0] =	wrdreg $0x60  }
0xae: {  	[dreg:$0x2] =	wrdreg s24  }
0xaf: {  	[dreg:$0x3] =	wrdreg s2  }
0xb0: {  	[dreg:$0x4] =	wrdreg $0x9  }
0xb1: {  	_ =	task.clear_ibuf [dreg:s7], $0x5FFFF;
	_ =	strace $0x90000046  }
0xb2: {  	s29 =	simm.s32 $0x9;
	_ =	strace $0x80000048  }
0xb3: {  	_ =	swait.ge [sflag:s29], $0x1  }
0xb4: {  	[sflag:s29] =	ssyncadd.s32 $0xFFFFFFFF  }
0xb5: {  	_ =	strace $0x90000048  }
0xb6: {  	_ =	sfence  }
0xb7: {  	s30 =	sld [smem:$0x0];
	_ =	sdelay $0x2  }
0xb8: {  	s31 =	sshll.u32 s1, $0xD;
	s1 =	sshrl.u32 s1, $0x2  }
0xb9: {  	s3 =	sand.u32 $0x4000, s31;
	s1 =	sadd.s32 s1, s30  }
0xba: {  	s0 =	sor.u32 s3, s0;
	s1 =	sshll.u32 s1, $0x11  }
0xbb: {  	s0 =	sor.u32 s1, s0  }
0xbc: {  	s0 =	sadd.s32 $0x8F2B, s0  }
0xbd: {  	[sflag:s0] =	ssyncadd.remote.s32 $0x1  }
0xbe: {  	_ =	sfence.sel $0xFFFF  }
0xbf: {  	[dreg:$0x0] =	wrdreg $0xFFFFFFFF;
	(pc) =	sbr.abs _section_cstart, $3  }
0xc0: {  	[dreg:$0x1] =	wrdreg $0xFFFFFFFF  }
0xc1: {  	_ =	task.clear_ibuf [dreg:s7], $0x2FFFF;
	_ =	strace $0x9FFFFFFF  }
0xc2: {  	(tm) =	ssettm $0x7FFFFFFF  }
0xc3: {  	_ =	shalt  }
tec
execute0_lowered:
.L_overlay_start_1:
0x0: {  	(tag) =	ssettag $0x1  }
0x1: {  	s5 =	rddreg [dreg:$0x0]  }
0x2: {  	s1 =	srdreg.scid;
	s0 =	stileid.u32  }
0x3: {  	s2 =	rddreg [dreg:$0x1];
	s3 =	simm.s32 $0x0;
	s10 =	simm.s32 $0x80  }
0x4: {  	s11 =	simm.s32 $0x2800;
	s12 =	simm.s32 $0x4800;
	s13 =	simm.s32 $0x2  }
0x5: {  	s14 =	simm.s32 $0x6800;
	s4 =	sand.u32 $0x1, s1;
	s6 =	sshll.u32 s0, $0x1  }
0x6: {  	s15 =	simm.s32 $0x3;
	s16 =	simm.s32 $0x8800;
	s6 =	sor.u32 s4, s6  }
0x7: {  	s17 =	simm.s32 $0x0;
	[smem:$0x7FF] =	sst s3;
	s7 =	smul.u32 $0x500, s6  }
.Ltmp0:
0x8: {  	s1 =	rddreg [dreg:$0x2];
	_ =	strace $0x80000047;
	(pc) =	sbr.rel .LBB2_1-.Ltmp0, $4  }
0x9: {  	s8 =	ssub.s32 $0x2, s4;
	s4 =	sadd.s32 $0xF42E00, s5;
	s9 =	smul.u32 $0x14000, s6  }
0xa: {  	s30 =	sshrl.u32 s8, $0x1;
	s6 =	smul.u32 $0xA0000, s6;
	s5 =	sadd.s32 s7, s5  }
0xb: {  	s7 =	ssub.s32 s8, s30;
	s31 =	sadd.s32 s9, s2;
	s9 =	simm.s32 $0x1  }
0xc: {  	s5 =	sadd.s32 $0xA00, s5;
	s7 =	smax.u32 s7, $0x1;
	s8 =	sadd.s32 $0x400, s31  }
.LBB2_12:
0xd: {  	s17 =	sadd.s32 $0x1, s17  }
0xe: {  	_ =	swait.ge [sflag:s15], $0x2000;
	p0 =	sne.s32 s17, s7  }
.Ltmp1:
0xf: {  	[sflag:s15] =	ssyncset.done $0x0;
	(pc) =	sbr.rel @!p0 .LBB2_13-.Ltmp1, $4  }
0x10: {  	[sflag:s15] =	ssyncadd.s32 $0xFFFFE000  }
0x11: {  	_ =	swait.ge [sflag:s15], $0x2000  }
0x12: {  	[sflag:s15] =	ssyncset.done $0x0  }
0x13: {  	[sflag:s15] =	ssyncadd.s32 $0xFFFFE000  }
.LBB2_1:
0x14: {  	[tilespmem:s3], [sflag:$0x1] =	stream.linear.gather [hbm4b:s5+s3], $0x2800, $0x38;
	[tilespmem:$0xA800] =	vst v63  }
0x15: {  	_ =	swait.ge [sflag:s9], $0x2800  }
0x16: {  	[sflag:s9] =	ssyncset.done $0x0  }
0x17: {  	[sflag:s9] =	ssyncadd.s32 $0xFFFFD800  }
0x18: {  	[tilespmem:s11], [sflag:$0x2] =	stream.indirect.gather [hbm4b:s4+s10], $0x40, s3, s10, $0xb8;
	[tilespmem:$0xA800] =	vst v63  }
0x19: {  	s18 =	simm.s32 $0x0  }
0x1a: {  	[tilespmem:s12], [sflag:$0x2] =	stream.indirect.gather [hbm4b:s4+s10], $0x40, s10, s10, $0xb8;
	[tilespmem:$0xA800] =	vst v63  }
.LBB2_2:
0x1b: {  	_ =	swait.ge [sflag:s13], $0x2000  }
0x1c: {  	p0 =	seq.s32 s18, $0x0;
	[sflag:s13] =	ssyncset.done $0x0  }
0x1d: {  	s19 =	simm.s32 @!p0 $0x3;
	[sflag:s13] =	ssyncadd.s32 $0xFFFFE000  }
0x1e: {  	_ =	swait.ge @!p0 [sflag:s19], $0x2000  }
0x1f: {  	[sflag:s19] =	ssyncset.done @!p0 $0x0  }
0x20: {  	s21 =	simm.s32 $0x0;
	[sflag:s19] =	ssyncadd.s32 @!p0 $0xFFFFE000  }
0x21: {  	v1 =	vld [tilespmem:s21+$0x2870]  }
0x22: {  	v5 =	vld [tilespmem:s21+$0x2800]  }
0x23: {  	v6 =	vld [tilespmem:s21+$0x2810]  }
0x24: {  	v4 =	vld [tilespmem:s21+$0x2820]  }
0x25: {  	v3 =	vld [tilespmem:s21+$0x2830]  }
0x26: {  	v0 =	vld [tilespmem:s21+$0x2840];
	v7 =	vmul.f32 $8.000000000e+00, v1  }
0x27: {  	v1 =	vld [tilespmem:s21+$0x2850];
	v5 =	vmul.f32 $8.000000000e+00, v5  }
0x28: {  	s20 =	simm.s32 $0x80;
	s22 =	simm.s32 $0x400;
	s19 =	sshll.u32 s18, $0xA;
	v2 =	vld [tilespmem:s21+$0x2860];
	v6 =	vmul.f32 $8.000000000e+00, v6;
	[tilespmem:s21+$0x6870] =	vst v7  }
.LBB2_3:
0x29: {  	p1 =	sne.s32 s22, $0x7E00;
	v7 =	vld [tilespmem:s20+$0x2870];
	[tilespmem:s21+$0x6800] =	vst v5;
	v4 =	vmul.f32 $8.000000000e+00, v4  }
0x2a: {  	v5 =	vld [tilespmem:s20+$0x2800];
	[tilespmem:s21+$0x6810] =	vst v6;
	v3 =	vmul.f32 $8.000000000e+00, v3  }
0x2b: {  	v6 =	vld [tilespmem:s20+$0x2810];
	[tilespmem:s21+$0x6820] =	vst v4;
	v0 =	vmul.f32 $8.000000000e+00, v0  }
.Ltmp2:
0x2c: {  	v4 =	vld [tilespmem:s20+$0x2820];
	[tilespmem:s21+$0x6830] =	vst v3;
	v1 =	vmul.f32 $8.000000000e+00, v1;
	(pc) =	sbr.rel @p1 .LBB2_3-.Ltmp2, $4  }
0x2d: {  	v3 =	vld [tilespmem:s20+$0x2830];
	[tilespmem:s21+$0x6840] =	vst v0;
	v2 =	vmul.f32 $8.000000000e+00, v2  }
0x2e: {  	v0 =	vld [tilespmem:s20+$0x2840];
	v7 =	vmul.f32 $8.000000000e+00, v7;
	[tilespmem:s21+$0x6850] =	vst v1  }
0x2f: {  	v5 =	vmul.f32 $8.000000000e+00, v5;
	v1 =	vld [tilespmem:s20+$0x2850];
	[tilespmem:s21+$0x6860] =	vst v2;
	s21 =	smov.u32 s20  }
0x30: {  	s20 =	sshra.s32 s22, $0x2;
	s22 =	sadd.s32 $0x200, s22;
	v6 =	vmul.f32 $8.000000000e+00, v6;
	v2 =	vld [tilespmem:s21+$0x2860];
	[tilespmem:s21+$0x6870] =	vst v7  }
0x31: {  	v7 =	vld [tilespmem:s20+$0x2870];
	[tilespmem:s21+$0x6800] =	vst v5;
	v4 =	vmul.f32 $8.000000000e+00, v4  }
0x32: {  	v5 =	vld [tilespmem:s20+$0x2800];
	[tilespmem:s21+$0x6810] =	vst v6;
	v3 =	vmul.f32 $8.000000000e+00, v3  }
0x33: {  	v6 =	vld [tilespmem:s20+$0x2810];
	[tilespmem:s21+$0x6820] =	vst v4;
	v0 =	vmul.f32 $8.000000000e+00, v0  }
0x34: {  	v4 =	vld [tilespmem:s20+$0x2820];
	[tilespmem:s21+$0x6830] =	vst v3;
	v1 =	vmul.f32 $8.000000000e+00, v1  }
0x35: {  	v3 =	vld [tilespmem:s20+$0x2830];
	[tilespmem:s21+$0x6840] =	vst v0;
	v2 =	vmul.f32 $8.000000000e+00, v2  }
0x36: {  	v0 =	vld [tilespmem:s20+$0x2840];
	[tilespmem:s21+$0x6850] =	vst v1;
	v7 =	vmul.f32 $8.000000000e+00, v7  }
0x37: {  	v1 =	vld [tilespmem:s20+$0x2850];
	[tilespmem:s21+$0x6860] =	vst v2;
	v60 =	vmul.f32 $8.000000000e+00, v5  }
0x38: {  	v61 =	vld [tilespmem:s20+$0x2860];
	v6 =	vmul.f32 $8.000000000e+00, v6;
	[tilespmem:s20+$0x6870] =	vst v7  }
0x39: {  	[tilespmem:s20+$0x6800] =	vst v60;
	v62 =	vmul.f32 $8.000000000e+00, v4  }
0x3a: {  	[tilespmem:s20+$0x6810] =	vst v6;
	v3 =	vmul.f32 $8.000000000e+00, v3  }
0x3b: {  	p1 =	sne.s32 s18, $0x27;
	[tilespmem:s20+$0x6820] =	vst v62;
	v0 =	vmul.f32 $8.000000000e+00, v0  }
.Ltmp3:
0x3c: {  	s30 =	sshll.u32 s18, $0xE;
	[tilespmem:s20+$0x6830] =	vst v3;
	v1 =	vmul.f32 $8.000000000e+00, v1;
	(pc) =	sbr.rel @p1 .LBB2_6-.Ltmp3, $4  }
0x3d: {  	s21 =	sadd.s32 s6, s30;
	[tilespmem:s20+$0x6840] =	vst v0;
	v63 =	vmul.f32 $8.000000000e+00, v61  }
0x3e: {  	s21 =	sshrl.u32 s21, $0x3;
	[tilespmem:s20+$0x6850] =	vst v1  }
0x3f: {  	s31 =	sadd.s32 s2, s21;
	[tilespmem:s20+$0x6860] =	vst v63  }
0x40: {  	[hbm4b:s31+s3] =	stream.linear.scatter [tilespmem:s14], [sflag:$0x3], $0x2000, $0x38;
	[tilespmem:$0xA800] =	vst v63  }
.Ltmp4:
0x41: {  	(pc) =	sbr.rel .LBB2_7-.Ltmp4, $4  }
0x42: {  	_ = 	snop  }
0x43: {  	_ =	swait.ge [sflag:s13], $0x2000  }
0x44: {  	[sflag:s13] =	ssyncset.done $0x0  }
0x45: {  	[sflag:s13] =	ssyncadd.s32 $0xFFFFE000  }
.LBB2_6:
0x46: {  	s20 =	sshrl.u32 s19, $0x2  }
.Ltmp5:
0x47: {  	s20 =	sadd.s32 $0x100, s20;
	(pc) =	sbr.rel @p0 .LBB2_8-.Ltmp5, $4  }
0x48: {  	[tilespmem:s11], [sflag:$0x2] =	stream.indirect.gather [hbm4b:s4+s10], $0x40, s20, s10, $0xb8;
	[tilespmem:$0xA800] =	vst v63  }
0x49: {  	_ =	swait.ge [sflag:s13], $0x2000  }
0x4a: {  	[sflag:s13] =	ssyncset.done $0x0  }
0x4b: {  	[sflag:s13] =	ssyncadd.s32 $0xFFFFE000  }
.LBB2_7:
0x4c: {  	_ =	swait.ge [sflag:s15], $0x2000  }
0x4d: {  	[sflag:s15] =	ssyncset.done $0x0  }
0x4e: {  	[sflag:s15] =	ssyncadd.s32 $0xFFFFE000  }
.LBB2_8:
0x4f: {  	s21 =	simm.s32 $0x0  }
0x50: {  	v1 =	vld [tilespmem:s21+$0x4870]  }
0x51: {  	v5 =	vld [tilespmem:s21+$0x4800]  }
0x52: {  	v6 =	vld [tilespmem:s21+$0x4810]  }
0x53: {  	v4 =	vld [tilespmem:s21+$0x4820]  }
0x54: {  	v3 =	vld [tilespmem:s21+$0x4830]  }
0x55: {  	v0 =	vld [tilespmem:s21+$0x4840];
	v7 =	vmul.f32 $8.000000000e+00, v1  }
0x56: {  	v1 =	vld [tilespmem:s21+$0x4850];
	v5 =	vmul.f32 $8.000000000e+00, v5  }
0x57: {  	s20 =	simm.s32 $0x80;
	s22 =	simm.s32 $0x400;
	v2 =	vld [tilespmem:s21+$0x4860];
	v6 =	vmul.f32 $8.000000000e+00, v6;
	[tilespmem:s21+$0x8870] =	vst v7  }
.LBB2_9:
0x58: {  	p0 =	sne.s32 s22, $0x7E00;
	v7 =	vld [tilespmem:s20+$0x4870];
	[tilespmem:s21+$0x8800] =	vst v5;
	v4 =	vmul.f32 $8.000000000e+00, v4  }
0x59: {  	v5 =	vld [tilespmem:s20+$0x4800];
	[tilespmem:s21+$0x8810] =	vst v6;
	v3 =	vmul.f32 $8.000000000e+00, v3  }
0x5a: {  	v6 =	vld [tilespmem:s20+$0x4810];
	[tilespmem:s21+$0x8820] =	vst v4;
	v0 =	vmul.f32 $8.000000000e+00, v0  }
.Ltmp6:
0x5b: {  	v4 =	vld [tilespmem:s20+$0x4820];
	[tilespmem:s21+$0x8830] =	vst v3;
	v1 =	vmul.f32 $8.000000000e+00, v1;
	(pc) =	sbr.rel @p0 .LBB2_9-.Ltmp6, $4  }
0x5c: {  	v3 =	vld [tilespmem:s20+$0x4830];
	[tilespmem:s21+$0x8840] =	vst v0;
	v2 =	vmul.f32 $8.000000000e+00, v2  }
0x5d: {  	v0 =	vld [tilespmem:s20+$0x4840];
	v7 =	vmul.f32 $8.000000000e+00, v7;
	[tilespmem:s21+$0x8850] =	vst v1  }
0x5e: {  	v5 =	vmul.f32 $8.000000000e+00, v5;
	v1 =	vld [tilespmem:s20+$0x4850];
	[tilespmem:s21+$0x8860] =	vst v2;
	s21 =	smov.u32 s20  }
0x5f: {  	s20 =	sshra.s32 s22, $0x2;
	s22 =	sadd.s32 $0x200, s22;
	v6 =	vmul.f32 $8.000000000e+00, v6;
	v2 =	vld [tilespmem:s21+$0x4860];
	[tilespmem:s21+$0x8870] =	vst v7  }
0x60: {  	v7 =	vld [tilespmem:s20+$0x4870];
	[tilespmem:s21+$0x8800] =	vst v5;
	v4 =	vmul.f32 $8.000000000e+00, v4  }
0x61: {  	v5 =	vld [tilespmem:s20+$0x4800];
	[tilespmem:s21+$0x8810] =	vst v6;
	v3 =	vmul.f32 $8.000000000e+00, v3  }
0x62: {  	v6 =	vld [tilespmem:s20+$0x4810];
	[tilespmem:s21+$0x8820] =	vst v4;
	v0 =	vmul.f32 $8.000000000e+00, v0  }
0x63: {  	v4 =	vld [tilespmem:s20+$0x4820];
	[tilespmem:s21+$0x8830] =	vst v3;
	v1 =	vmul.f32 $8.000000000e+00, v1  }
0x64: {  	v3 =	vld [tilespmem:s20+$0x4830];
	[tilespmem:s21+$0x8840] =	vst v0;
	v2 =	vmul.f32 $8.000000000e+00, v2  }
0x65: {  	v0 =	vld [tilespmem:s20+$0x4840];
	[tilespmem:s21+$0x8850] =	vst v1;
	v7 =	vmul.f32 $8.000000000e+00, v7  }
0x66: {  	v1 =	vld [tilespmem:s20+$0x4850];
	[tilespmem:s21+$0x8860] =	vst v2;
	v60 =	vmul.f32 $8.000000000e+00, v5  }
0x67: {  	v61 =	vld [tilespmem:s20+$0x4860];
	v6 =	vmul.f32 $8.000000000e+00, v6;
	[tilespmem:s20+$0x8870] =	vst v7  }
0x68: {  	[tilespmem:s20+$0x8800] =	vst v60;
	v62 =	vmul.f32 $8.000000000e+00, v4  }
0x69: {  	[tilespmem:s20+$0x8810] =	vst v6;
	v3 =	vmul.f32 $8.000000000e+00, v3  }
0x6a: {  	p0 =	seq.s32 s18, $0x27;
	[tilespmem:s20+$0x8820] =	vst v62;
	v0 =	vmul.f32 $8.000000000e+00, v0  }
.Ltmp7:
0x6b: {  	[tilespmem:s20+$0x8830] =	vst v3;
	v1 =	vmul.f32 $8.000000000e+00, v1;
	(pc) =	sbr.rel @p0 .LBB2_12-.Ltmp7, $4  }
0x6c: {  	[tilespmem:s20+$0x8840] =	vst v0;
	v63 =	vmul.f32 $8.000000000e+00, v61  }
0x6d: {  	s30 =	sshll.u32 s18, $0xB;
	[tilespmem:s20+$0x8850] =	vst v1  }
0x6e: {  	s31 =	sadd.s32 s8, s30;
	[tilespmem:s20+$0x8860] =	vst v63  }
0x6f: {  	[hbm4b:s31+s3] =	stream.linear.scatter [tilespmem:s16], [sflag:$0x3], $0x2000, $0x38;
	[tilespmem:$0xA800] =	vst v63  }
.Ltmp8:
0x70: {  	(pc) =	sbr.rel .LBB2_2-.Ltmp8, $4  }
0x71: {  	_ = 	snop  }
0x72: {  	s19 =	sshrl.u32 s19, $0x2  }
0x73: {  	s18 =	sadd.s32 $0x1, s18;
	s19 =	sadd.s32 $0x180, s19  }
0x74: {  	[tilespmem:s12], [sflag:$0x2] =	stream.indirect.gather [hbm4b:s4+s10], $0x40, s19, s10, $0xb8;
	[tilespmem:$0xA800] =	vst v63  }
.LBB2_13:
0x75: {  	_ =	sfence.sel $0x180000  }
0x76: {  	[bflag:$0x0] =	sbarrier.arrive $0xFFFF  }
0x77: {  	p0 =	sne.s32 s0, $0x0;
	_ =	strace $0x90000047  }
0x78: {  	s0 =	sadd.s32 @!p0 $0x100000, s1;
	[bflag:$0x2] =	sbarrier.arrive $0xFFFF  }
0x79: {  	[sflag:s0] =	ssyncadd.tile.s32 @!p0 $0x1;
	_ =	shalt  }
.Lfunc_end2:
_tile_overlayer_lowered:
.L_overlay_start_2:
0x7a: {  	(tag) =	ssettag $0x2  }
0x7b: {  	s0 =	rddreg [dreg:$0x0];
	s2 =	stileid.u32  }
0x7c: {  	s1 =	rddreg [dreg:$0x1];
	p0 =	sne.s32 s2, $0x0  }
0x7d: {  	s3 =	rddreg [dreg:$0x2];
	[bflag:$0x3] =	sbarrier.arrive $0xFFFF;
	s2 =	simm.s32 @!p0 $0x1C04  }
0x7e: {  	[timem:s3], [sflag:s2] =	dma.local @!p0 [hbm:s0], s1  }
0x7f: {  	s0 =	simm.s32 @!p0 $0x4  }
0x80: {  	_ =	swait.ge @!p0 [sflag:s0], s1  }
0x81: {  	s1 =	ssub.s32 @!p0 $0x0, s1;
	[sflag:s0] =	ssyncset.done @!p0 $0x0  }
0x82: {  	[sflag:s0] =	ssyncadd.s32 @!p0 s1  }
0x83: {  	[bflag:$0x3] =	sbarrier.arrive $0xFFFF  }
0x84: {  	_ =	shalt  }

// kernel: sparse-core-data-format-call.cloned.1.call-start
scs
called_computation_lowered:
.L_overlay_start_0:
0x0: {  	s2 =	sld [smem:$0x3FD9]  }
0x1: {  	s3 =	sld [smem:$0x3FFE];
	_ =	sdelay $0x1  }
0x2: {  	s1 =	srdreg.scid  }
0x3: {  	s0 =	sand.u32 $0x1, s1  }
0x4: {  	s18 =	sshll.u32 s0, $0xA;
	s2 =	sadd.s32 s3, s2  }
0x5: {  	s2 =	sadd.s32 s2, s18  }
0x6: {  	[smem:$0x3FC6] =	sst s2  }
0x7: {  	_ = 	snop  }
0x8: {  	s2 =	sld [smem:$0x3FD0];
	(tm) =	ssettm $0x1  }
0x9: {  	s19 =	sld [smem:$0x3FFB];
	_ =	sdelay $0x3  }
0xa: {  	_ =	strace s19  }
0xb: {  	s3 =	sld [smem:$0x3FFC];
	_ =	sdelay $0x3  }
0xc: {  	_ =	strace s3  }
0xd: {  	s3 =	sld [smem:$0x3FFD];
	_ =	sdelay $0x3  }
0xe: {  	_ =	strace s3  }
0xf: {  	_ =	strace $0x8FFFFFFF  }
0x10: {  	s20 =	sld [smem:$0x3FDB];
	_ =	sdelay $0x1  }
0x11: {  	s4 =	simm.s32 $_scs_section_size  }
0x12: {  	s5 =	simm.s32 $_size__tile_overlayer_lowered;
	s6 =	simm.s32 $_tile_overlayer_lowered  }
0x13: {  	s23 =	simm.s32 $0x1BFF;
	s22 =	sshll.u32 s6, $0x1;
	s3 =	sadd.s32 s4, s20  }
0x14: {  	s7 =	simm.s32 $0x0;
	s21 =	sshll.u32 s5, $0x1;
	s5 =	sadd.s32 s22, s3  }
0x15: {  	[timem:s7], [sflag:s23] =	dma.local [hbm:s5], s21  }
0x16: {  	_ =	swait.ge [sflag:s23], s21  }
0x17: {  	s4 =	ssub.s32 $0x0, s21;
	[sflag:s23] =	ssyncset.done $0x0  }
0x18: {  	[sflag:s23] =	ssyncadd.s32 s4;
	_ =	sdelay $0x1  }
0x19: {  	s24 =	simm.s32 $0x1B8B  }
0x1a: {  	_ =	swait.ge [sflag:s24], $0x1  }
0x1b: {  	[sflag:s24] =	ssyncset.done $0x0  }
0x1c: {  	s26 =	simm.s32 $0x1B8E;
	s25 =	sld [smem:$0x3FFE];
	[sflag:s24] =	ssyncadd.s32 $0xFFFFFFFF  }
0x1d: {  	s27 =	simm.s32 $execute0_lowered;
	[smem:$0x3FD2] =	sst s26  }
0x1e: {  	s5 =	sshll.u32 s27, $0x1;
	_ =	strace $0x80000049;
	[dreg:$0x1] =	wrdreg $0xFFFFFFFF  }
0x1f: {  	s28 =	simm.s32 $_size_execute0_lowered;
	s3 =	sadd.s32 s3, s5;
	[dreg:$0x0] =	wrdreg $0x0  }
0x20: {  	s5 =	sshll.u32 s28, $0x1;
	[dreg:$0x2] =	wrdreg s3  }
0x21: {  	[dreg:$0x3] =	wrdreg s5  }
0x22: {  	[dreg:$0x4] =	wrdreg $0xC0  }
0x23: {  	_ =	task [dreg:s7], $0x5FFFF  }
0x24: {  	[dreg:$0x1] =	wrdreg $0xFFFFFFFF  }
0x25: {  	[dreg:$0x0] =	wrdreg $0x60  }
0x26: {  	[dreg:$0x2] =	wrdreg s25  }
0x27: {  	[dreg:$0x3] =	wrdreg s2  }
0x28: {  	[dreg:$0x4] =	wrdreg $0x9  }
0x29: {  	_ =	task.clear_ibuf [dreg:s7], $0x5FFFF;
	_ =	strace $0x90000049  }
0x2a: {  	s29 =	simm.s32 $0x9;
	_ =	strace $0x8000004B  }
0x2b: {  	_ =	swait.ge [sflag:s29], $0x1  }
0x2c: {  	[sflag:s29] =	ssyncadd.s32 $0xFFFFFFFF  }
0x2d: {  	_ =	strace $0x9000004B  }
0x2e: {  	_ =	sfence  }
0x2f: {  	s30 =	sld [smem:$0x0];
	_ =	sdelay $0x2  }
0x30: {  	s31 =	sshll.u32 s1, $0xD;
	s1 =	sshrl.u32 s1, $0x2  }
0x31: {  	s3 =	sand.u32 $0x4000, s31;
	s1 =	sadd.s32 s1, s30  }
0x32: {  	s0 =	sor.u32 s3, s0;
	s1 =	sshll.u32 s1, $0x11  }
0x33: {  	s0 =	sor.u32 s1, s0  }
0x34: {  	s0 =	sadd.s32 $0x8F2B, s0  }
0x35: {  	[sflag:s0] =	ssyncadd.remote.s32 $0x1  }
0x36: {  	_ =	sfence.sel $0xFFFF  }
0x37: {  	[dreg:$0x0] =	wrdreg $0xFFFFFFFF;
	(pc) =	sbr.abs _section_cstart, $3  }
0x38: {  	[dreg:$0x1] =	wrdreg $0xFFFFFFFF  }
0x39: {  	_ =	task.clear_ibuf [dreg:s7], $0x2FFFF;
	_ =	strace $0x9FFFFFFF  }
0x3a: {  	(tm) =	ssettm $0x7FFFFFFF  }
0x3b: {  	_ =	shalt  }
tec
execute0_lowered:
.L_overlay_start_1:
0x0: {  	(tag) =	ssettag $0x1  }
0x1: {  	s0 =	srdreg.scid  }
0x2: {  	s1 =	sshll.u32 s0, $0x4  }
0x3: {  	s0 =	stileid.u32;
	s1 =	sand.u32 $0x10, s1  }
0x4: {  	s1 =	sor.u32 s0, s1  }
0x5: {  	s6 =	rddreg [dreg:$0x0];
	s4 =	simm.s32 $0x1;
	s2 =	sshll.u32 s1, $0x7  }
0x6: {  	s7 =	simm.s32 $0x2;
	s12 =	simm.s32 $0x0;
	s1 =	ssub.s32 $0x4000, s2  }
0x7: {  	s8 =	simm.s32 $0x20000;
	s13 =	simm.s32 $0x0;
	s3 =	sand.u32 $0xF80, s1  }
0x8: {  	s9 =	simm.s32 $0x0;
	s5 =	sshrl.u32 s1, $0xC;
	p0 =	sne.s32 s3, $0x0  }
.Ltmp0:
0x9: {  	s1 =	rddreg [dreg:$0x2];
	s4 =	simm.s32 @!p0 $0x0;
	(pc) =	sbr.rel .LBB1_1-.Ltmp0, $4  }
0xa: {  	s11 =	simm.s32 $0x0;
	s3 =	rddreg [dreg:$0x1];
	s5 =	sadd.s32 s4, s5  }
0xb: {  	_ =	strace $0x8000004A;
	s4 =	simm.s32 $0x1;
	s5 =	smul.u32 $0x14, s5  }
0xc: {  	s6 =	sadd.s32 $0xA00, s6;
	s10 =	smov.u32 s2;
	[sflag:s4] =	ssyncpa.u1 $0x0  }
0xd: {  	p0 =	por $0x0, $0x0;
	[sflag:s7] =	ssyncpa.u1 $0x0;
	s7 =	sor.u32 $0x1, s5  }
.LBB1_4:
0xe: {  	s16 =	sshll.u32 s13, $0x3;
	s17 =	sand.u32 $0x78, s13  }
0xf: {  	s30 =	sand.u32 $0x1F800, s13;
	s12 =	sshll.u32 s12, $0x11;
	s16 =	sand.u32 $0x3C00, s16  }
0x10: {  	[tilespmem:s15+$0x810 ss:$0x81] =	vst.msk $0xffff, v2;
	s31 =	sand.u32 $0x7, s13;
	s16 =	sor.u32 s17, s16;
	s17 =	sadd.s32 s3, s30  }
0x11: {  	[tilespmem:s15+$0x1020 ss:$0x81] =	vst.msk $0xffff, v0;
	s13 =	sshll.u32 s31, $0x12;
	s12 =	sadd.s32 s12, s17;
	s16 =	sshrl.u32 s16, $0x3  }
0x12: {  	[tilespmem:s15+$0x0 ss:$0x81] =	vst.msk $0xffff, v1;
	s13 =	sor.u32 $0x400, s13;
	s12 =	sadd.s32 s16, s12  }
0x13: {  	[hbm4b:s12+s13] =	stream.strided.scatter [tilespmem:s14], [sflag:$0x2], $0x2000, s8, s13, $0x20;
	[tilespmem:$0x8080] =	vst v63  }
.LBB1_5:
0x14: {  	s14 =	sadd.s32 $0x1, s9  }
0x15: {  	s12 =	sadd.s32 $0x1000, s10;
	s16 =	smov.u32 s10;
	p2 =	sgt.s32 s14, $0x13  }
0x16: {  	s16 =	smov.u32 @p2 s12  }
0x17: {  	s14 =	simm.s32 @p2 $0x0;
	p2 =	sgt.s32 s16, $0x3FFF  }
0x18: {  	s16 =	smov.u32 @p2 s2;
	p2 =	sne.s32 s11, s7  }
.Ltmp1:
0x19: {  	p1 =	slt.u32 s11, $0x2;
	(pc) =	sbr.rel @!p2 .LBB1_6-.Ltmp1, $4  }
0x1a: {  	s15 =	simm.s32 @!p1 $0x2  }
0x1b: {  	s13 =	smov.u32 s10;
	p0 =	por !p0, !p0;
	_ =	swait.ge @!p1 [sflag:s15], $0x2000  }
0x1c: {  	s12 =	smov.u32 s9;
	[sflag:s15] =	ssyncset.done @!p1 $0x0;
	s9 =	smov.u32 s14  }
0x1d: {  	s11 =	sadd.s32 $0x1, s11;
	[sflag:s15] =	ssyncadd.s32 @!p1 $0xFFFFE000;
	s10 =	smov.u32 s16  }
.LBB1_1:
0x1e: {  	p1 =	sge.u32 s11, s5  }
0x1f: {  	s14 =	sand.u32 @!p1 $0x1FFFFFF, s9  }
0x20: {  	s15 =	smulhi.u32 @!p1 $0xAAAAAAB, s14;
	_ =	sdelay $0x1  }
0x21: {  	s15 =	smul.u32 @!p1 $0x18, s15  }
0x22: {  	s16 =	sxor.u32 @!p1 $0xFFFFFFFF, s11;
	s17 =	smul.u32 @!p1 $0x180, s10  }
0x23: {  	s31 =	sadd.s32 $0xFFFFFFFF, s11;
	s16 =	sshll.u32 @!p1 s16, $0xD;
	s14 =	ssub.s32 @!p1 s14, s15  }
0x24: {  	s15 =	sand.u32 @!p1 $0x2000, s16;
	s16 =	sadd.s32 @!p1 s6, s17;
	s14 =	sshll.u32 @!p1 s14, $0x4  }
0x25: {  	s17 =	simm.s32 @!p1 $0xC00;
	s14 =	sadd.s32 @!p1 s14, s16;
	s16 =	simm.s32 @!p1 $0x40  }
0x26: {  	[tilespmem:s15], [sflag:$0x1] =	stream.strided.gather @!p1 [hbm4b:s14+s16], $0x2000, s17, s16, $0x38;
	[tilespmem:$0x8080] =	vst v63  }
0x27: {  	p1 =	sge.u32 s31, s5  }
.Ltmp2:
0x28: {  	_ = 	snop;
	(pc) =	sbr.rel @p1 .LBB1_5-.Ltmp2, $1  }
0x29: {  	_ =	sdelay $0x3  }
0x2a: {  	s14 =	simm.s32 $0x1  }
0x2b: {  	_ =	swait.ge [sflag:s4], $0x2000;
	s14 =	simm.s32 @!p0 $0x0  }
0x2c: {  	[sflag:s4] =	ssyncset.done $0x0;
	s15 =	sshll.u32 s14, $0xD  }
0x2d: {  	[sflag:s4] =	ssyncadd.s32 $0xFFFFE000;
	s18 =	sor.u32 $0x20, s15  }
0x2e: {  	s14 =	smul.u32 $0x8100, s14;
	v3 =	vld [tilespmem:s18+$0x10]  }
0x2f: {  	s30 =	sand.u32 $0x1, s11;
	v2 =	vld [tilespmem:s18+$0xFFFFFFF0]  }
0x30: {  	s15 =	smul.u32 $0x8100, s30;
	s14 =	sshrl.u32 s14, $0x2;
	v0 =	vld [tilespmem:s18+$0x0]  }
0x31: {  	v1 =	vld [tilespmem:s18+$0xFFFFFFE0];
	s16 =	sor.u32 $0x4000, s14  }
0x32: {  	s31 =	sshrl.u32 s15, $0x2;
	s15 =	sadd.s32 $0x0, s16  }
0x33: {  	s17 =	simm.s32 $0x4;
	s18 =	sadd.s32 $0x40, s18;
	s14 =	sor.u32 $0x4000, s31;
	[tilespmem:s15+$0x1830 ss:$0x81] =	vst.msk $0xffff, v3  }
.LBB1_3:
0x34: {  	v3 =	vld [tilespmem:s18+$0x10];
	p1 =	sne.s32 s17, $0x1FC;
	[tilespmem:s15+$0x810 ss:$0x81] =	vst.msk $0xffff, v2;
	s19 =	smov.u32 s17;
	s17 =	sadd.s32 $0x4, s17  }
.Ltmp3:
0x35: {  	v2 =	vld [tilespmem:s18+$0xFFFFFFF0];
	[tilespmem:s15+$0x1020 ss:$0x81] =	vst.msk $0xffff, v0;
	(pc) =	sbr.rel @p1 .LBB1_3-.Ltmp3, $4  }
0x36: {  	v0 =	vld [tilespmem:s18+$0x0];
	[tilespmem:s15+$0x0 ss:$0x81] =	vst.msk $0xffff, v1  }
0x37: {  	s15 =	sshra.s32 s19, $0x2;
	v1 =	vld [tilespmem:s18+$0xFFFFFFE0]  }
0x38: {  	s15 =	sadd.s32 s15, s16  }
0x39: {  	s18 =	sadd.s32 $0x40, s18;
	[tilespmem:s15+$0x1830 ss:$0x81] =	vst.msk $0xffff, v3  }
.Ltmp4:
0x3a: {  	_ = 	snop;
	(pc) =	sbr.rel .LBB1_4-.Ltmp4, $1  }
0x3b: {  	_ =	sdelay $0x3  }
.LBB1_6:
0x3c: {  	_ =	sfence.sel $0x180000  }
0x3d: {  	s2 =	simm.s32 $0x1;
	[bflag:$0x0] =	sbarrier.arrive $0xFFFF  }
0x3e: {  	s31 =	simm.s32 $0x2;
	[sflag:s2] =	ssyncpa.u1 $0x1  }
0x3f: {  	[sflag:s31] =	ssyncpa.u1 $0x1  }
0x40: {  	p0 =	sne.s32 s0, $0x0;
	_ =	strace $0x9000004A  }
0x41: {  	s0 =	sadd.s32 @!p0 $0x100000, s1;
	[bflag:$0x2] =	sbarrier.arrive $0xFFFF  }
0x42: {  	[sflag:s0] =	ssyncadd.tile.s32 @!p0 $0x1;
	_ =	shalt  }
.Lfunc_end1:
_tile_overlayer_lowered:
.L_overlay_start_2:
0x43: {  	(tag) =	ssettag $0x2  }
0x44: {  	s0 =	rddreg [dreg:$0x0];
	s2 =	stileid.u32  }
0x45: {  	s1 =	rddreg [dreg:$0x1];
	p0 =	sne.s32 s2, $0x0  }
0x46: {  	s3 =	rddreg [dreg:$0x2];
	[bflag:$0x3] =	sbarrier.arrive $0xFFFF;
	s2 =	simm.s32 @!p0 $0x1C01  }
0x47: {  	[timem:s3], [sflag:s2] =	dma.local @!p0 [hbm:s0], s1  }
0x48: {  	s0 =	simm.s32 @!p0 $0x1  }
0x49: {  	_ =	swait.ge @!p0 [sflag:s0], s1  }
0x4a: {  	s1 =	ssub.s32 @!p0 $0x0, s1;
	[sflag:s0] =	ssyncset.done @!p0 $0x0  }
0x4b: {  	[sflag:s0] =	ssyncadd.s32 @!p0 s1  }
0x4c: {  	[bflag:$0x3] =	sbarrier.arrive $0xFFFF  }
0x4d: {  	_ =	shalt  }

</sc_bundles>
